<compile_context>
chip_gen: v7x
topology: tpu7x:2x2x1
jax: 0.10.2.dev20260603
libtpu: 0.0.44.dev20260713+nightly
codegen_flags: <defaults>
</compile_context>

<pallas_src>
import functools

import jax
import jax.numpy as jnp
from jax import lax
from jax.experimental import pallas as pl
from jax.experimental.pallas import tpu as pltpu
from jax.experimental.pallas import tpu_sc as plsc

_N_STATES = 10
_EMBED_DIM = 128
_BATCH = 4096
_SEQ = 50
_NC, _NS = 2, 16
_NW = _NC * _NS
_B_PER_W = _BATCH // _NW
_LANES = 16
_NBUF = 5
_LEAD = 2

_mesh = plsc.VectorSubcoreMesh(core_axis_name="c", subcore_axis_name="s")


@functools.partial(
    pl.kernel,
    mesh=_mesh,
    out_type=jax.ShapeDtypeStruct((_SEQ, _BATCH, _EMBED_DIM), jnp.float32),
    scratch_types=(
        [pltpu.VMEM((_SEQ, _B_PER_W), jnp.int32)] * 3 +
        [pltpu.VMEM((_B_PER_W, _EMBED_DIM), jnp.float32)] * _NBUF +
        [pltpu.SemaphoreType.DMA] * (2 * _NBUF) +
        [pltpu.VMEM_SHARED((1000, _EMBED_DIM), jnp.float32)] +
        [pltpu.SemaphoreType.DMA] * 2
    ),
)
def _lookup(sens_hbm, st_hbm, table_hbm, out_hbm, *scratch):
    sens_v, st_v, idx_v = scratch[0], scratch[1], scratch[2]
    bufs = scratch[3:3 + _NBUF]
    gsem = scratch[3 + _NBUF:3 + 2 * _NBUF]
    wsem = scratch[3 + 2 * _NBUF:3 + 3 * _NBUF]
    table_sp = scratch[3 + 3 * _NBUF]
    isem_a, isem_b = scratch[4 + 3 * _NBUF], scratch[5 + 3 * _NBUF]

    sid = lax.axis_index("s")
    wid = sid * _NC + lax.axis_index("c")
    bbase = wid * _B_PER_W

    in_a = pltpu.async_copy(sens_hbm.at[:, pl.ds(bbase, _B_PER_W)], sens_v,
                            isem_a)
    in_b = pltpu.async_copy(st_hbm.at[:, pl.ds(bbase, _B_PER_W)], st_v,
                            isem_b)

    @pl.when(sid == 0)
    def _():
        pltpu.sync_copy(table_hbm, table_sp)

    vecs_per_row = _B_PER_W // _LANES

    def compute_idx_row(r):
        def body(j, carry):
            col = j * _LANES
            s = sens_v[r, pl.ds(col, _LANES)]
            t = st_v[r, pl.ds(col, _LANES)]
            idx_v[r, pl.ds(col, _LANES)] = s * _N_STATES + t
            return carry
        lax.fori_loop(0, vecs_per_row, body, 0)

    def fire_gather(g, b, src):
        pltpu.async_copy(src.at[idx_v.at[g]], bufs[b], gsem[b])

    def wait_gather(b):
        pltpu.make_async_copy(table_sp.at[idx_v.at[0]], bufs[b],
                              gsem[b]).wait()

    def fire_write(g, b):
        pltpu.async_copy(bufs[b], out_hbm.at[g, pl.ds(bbase, _B_PER_W)],
                         wsem[b])

    def wait_write(b):
        pltpu.make_async_copy(bufs[b], out_hbm.at[0, pl.ds(bbase, _B_PER_W)],
                              wsem[b]).wait()

    plsc.subcore_barrier()
    in_a.wait()
    in_b.wait()

    def src_for(b):
        return table_sp

    for b in range(_LEAD):
        compute_idx_row(b)
        fire_gather(b, b, src_for(b))

    def outer(o, carry):
        for b in range(_NBUF):
            g = o * _NBUF + b
            bb = (b + _LEAD) % _NBUF

            @pl.when(jnp.logical_and(g + _LEAD >= _NBUF, g + _LEAD < _SEQ))
            def _():
                wait_write(bb)

            @pl.when(g + _LEAD < _SEQ)
            def _():
                compute_idx_row(g + _LEAD)
                fire_gather(g + _LEAD, bb, src_for(bb))

            wait_gather(b)
            fire_write(g, b)
        return carry

    lax.fori_loop(0, _SEQ // _NBUF, outer, 0)

    for b in range(_NBUF):
        wait_write(b)


def kernel(sensor_ids, states, embeddings_tensor):
    out_t = _lookup(sensor_ids.T, states.T, embeddings_tensor)
    return out_t.transpose(1, 0, 2)

# --- scband reference (transcript-rebuilt; emitter-appended) ---
"""Pipeline reference for scband-image-embedding-lookup-35940286332976 (READ-ONLY COPY).

The authoritative reference and input builder live on the scoring server;
editing this copy changes nothing except your own understanding.
"""

import jax, jax.numpy as jnp
import numpy as np

N_SENSORS = 100
N_STATES = 10
TABLE_ROWS = 1000
EMBED_DIM = 128
BATCH = 4096
SEQ_LEN = 50


def setup_inputs(seed: int = 0) -> dict:
    key = jax.random.key(seed)
    k1, k2, k3 = jax.random.split(key, 3)
    sensor_ids = jax.random.randint(k1, (BATCH, SEQ_LEN), 0, N_SENSORS, dtype=jnp.int64 if jax.config.jax_enable_x64 else jnp.int32).astype(jnp.int32)
    states = jax.random.randint(k2, (BATCH, SEQ_LEN), 0, N_STATES, dtype=jnp.int32)
    embeddings_tensor = jax.random.normal(k3, (TABLE_ROWS, EMBED_DIM), dtype=jnp.float32)
    return {"sensor_ids": sensor_ids, "states": states, "embeddings_tensor": embeddings_tensor}


def reference(sensor_ids, states, embeddings_tensor):
    # The torch module maps (sensor_id_str, state_str) -> key -> row index in a frozen
    # embedding table, returning zeros for missing keys. We model the key_to_idx dict
    # as flat_idx = sensor_idx * N_STATES + state_idx; out-of-range keys (missing from
    # the table) produce zero vectors, matching the torch fallback behavior.
    flat_idx = sensor_ids * N_STATES + states
    n_rows = embeddings_tensor.shape[0]
    valid = flat_idx < n_rows
    safe_idx = jnp.clip(flat_idx, 0, n_rows - 1)
    emb = jnp.take(embeddings_tensor, safe_idx, axis=0)
    emb = jnp.where(valid[..., None], emb, jnp.zeros((), dtype=embeddings_tensor.dtype))
    return emb

if __name__ == "__main__":
    import jax
    _d = setup_inputs()
    print(jax.jit(kernel)(*tuple(_d.values())))

</pallas_src>

<mosaic_0001>
#map = affine_map<(d0, d1) -> (0, 0)>
#map1 = affine_map<(d0, d1) -> (0, 0, 0)>
module attributes {stable_mosaic.version = 14 : i64} {
  func.func @_lookup(%arg0: i32, %arg1: i32, %arg2: memref<50x4096xi32, #tpu.memory_space<hbm>>, %arg3: memref<50x4096xi32, #tpu.memory_space<hbm>>, %arg4: memref<1000x128xf32, #tpu.memory_space<hbm>>, %arg5: memref<50x4096x128xf32, #tpu.memory_space<hbm>>, %arg6: memref<50x128xi32, #tpu.memory_space<vmem>>, %arg7: memref<50x128xi32, #tpu.memory_space<vmem>>, %arg8: memref<50x128xi32, #tpu.memory_space<vmem>>, %arg9: memref<128x128xf32, #tpu.memory_space<vmem>>, %arg10: memref<128x128xf32, #tpu.memory_space<vmem>>, %arg11: memref<128x128xf32, #tpu.memory_space<vmem>>, %arg12: memref<128x128xf32, #tpu.memory_space<vmem>>, %arg13: memref<128x128xf32, #tpu.memory_space<vmem>>, %arg14: memref<!tpu.dma_semaphore, #tpu.memory_space<semaphore_mem>>, %arg15: memref<!tpu.dma_semaphore, #tpu.memory_space<semaphore_mem>>, %arg16: memref<!tpu.dma_semaphore, #tpu.memory_space<semaphore_mem>>, %arg17: memref<!tpu.dma_semaphore, #tpu.memory_space<semaphore_mem>>, %arg18: memref<!tpu.dma_semaphore, #tpu.memory_space<semaphore_mem>>, %arg19: memref<!tpu.dma_semaphore, #tpu.memory_space<semaphore_mem>>, %arg20: memref<!tpu.dma_semaphore, #tpu.memory_space<semaphore_mem>>, %arg21: memref<!tpu.dma_semaphore, #tpu.memory_space<semaphore_mem>>, %arg22: memref<!tpu.dma_semaphore, #tpu.memory_space<semaphore_mem>>, %arg23: memref<!tpu.dma_semaphore, #tpu.memory_space<semaphore_mem>>, %arg24: memref<1000x128xf32, #tpu.memory_space<vmem_shared>>, %arg25: memref<!tpu.dma_semaphore, #tpu.memory_space<semaphore_mem>>, %arg26: memref<!tpu.dma_semaphore, #tpu.memory_space<semaphore_mem>>) attributes {dimension_semantics = [#tpu.dimension_semantics<core_parallel>, #tpu.dimension_semantics<subcore_parallel>], iteration_bounds = array<i64: 2, 16>, scalar_prefetch = 0 : i64, scratch_operands = 21 : i64, tpu.core_type = #tpu.core_type<sc_vector_subcore>, window_params = [{transform_indices = #map}, {transform_indices = #map}, {transform_indices = #map}, {transform_indices = #map1}]} {
    %mul3A = arith.constant 2 : i32
    %mul3A_0 = arith.muli %arg1, %mul3A : i32
    %add3A = arith.addi %mul3A_0, %arg0 : i32
    %mul3A_1 = arith.constant 128 : i32
    %mul3A_2 = arith.muli %add3A, %mul3A_1 : i32
    %dma_start3A = arith.constant 0 : i32
    %dma_start3A_3 = tpu.memref_slice %arg2[%dma_start3A, %mul3A_2] : memref<50x4096xi32, #tpu.memory_space<hbm>> -> memref<50x128xi32, #tpu.memory_space<hbm>>
    %dma_start3A_4 = arith.constant 0 : i32
    %dma_start3A_5 = tpu.memref_slice %arg2[%dma_start3A_4, %mul3A_2] : memref<50x4096xi32, #tpu.memory_space<hbm>> -> memref<50x128xi32, #tpu.memory_space<hbm>>
    tpu.enqueue_dma source(%dma_start3A_5 : memref<50x128xi32, #tpu.memory_space<hbm>>) target(%arg6 : memref<50x128xi32, #tpu.memory_space<vmem>>) target_semaphore(%arg25 : memref<!tpu.dma_semaphore, #tpu.memory_space<semaphore_mem>>)
    %dma_start3A_6 = arith.constant 0 : i32
    %dma_start3A_7 = tpu.memref_slice %arg3[%dma_start3A_6, %mul3A_2] : memref<50x4096xi32, #tpu.memory_space<hbm>> -> memref<50x128xi32, #tpu.memory_space<hbm>>
    %dma_start3A_8 = arith.constant 0 : i32
    %dma_start3A_9 = tpu.memref_slice %arg3[%dma_start3A_8, %mul3A_2] : memref<50x4096xi32, #tpu.memory_space<hbm>> -> memref<50x128xi32, #tpu.memory_space<hbm>>
    tpu.enqueue_dma source(%dma_start3A_9 : memref<50x128xi32, #tpu.memory_space<hbm>>) target(%arg7 : memref<50x128xi32, #tpu.memory_space<vmem>>) target_semaphore(%arg26 : memref<!tpu.dma_semaphore, #tpu.memory_space<semaphore_mem>>)
    %eq3A = arith.constant 0 : i32
    %eq3A_10 = arith.cmpi eq, %arg1, %eq3A : i32
    %convert_element_type3A = arith.extui %eq3A_10 : i1 to i32
    %cond3A = arith.constant 0 : i32
    %cond3A_11 = arith.cmpi ne, %convert_element_type3A, %cond3A : i32
    scf.if %cond3A_11 {
      "tpu.region"() ({
        %run_scoped3A = tpu.sem_alloc : memref<!tpu.dma_semaphore, #tpu.memory_space<semaphore_mem>>
        tpu.enqueue_dma source(%arg4 : memref<1000x128xf32, #tpu.memory_space<hbm>>) target(%arg24 : memref<1000x128xf32, #tpu.memory_space<vmem_shared>>) target_semaphore(%run_scoped3A : memref<!tpu.dma_semaphore, #tpu.memory_space<semaphore_mem>>)
        tpu.wait_dma2 semaphore(%run_scoped3A : memref<!tpu.dma_semaphore, #tpu.memory_space<semaphore_mem>>) src(%arg4 : memref<1000x128xf32, #tpu.memory_space<hbm>>) dst(%arg24 : memref<1000x128xf32, #tpu.memory_space<vmem_shared>>)
        tpu.yield
      }) : () -> ()
    } else {
    }
    %barrier3A = arith.constant 0 : index
    tpu.barrier barrier_id(%barrier3A)
    %dma_wait3A = arith.constant 0 : i32
    %dma_wait3A_12 = tpu.memref_slice %arg2[%dma_wait3A, %mul3A_2] : memref<50x4096xi32, #tpu.memory_space<hbm>> -> memref<50x128xi32, #tpu.memory_space<hbm>>
    %dma_wait3A_13 = arith.constant 0 : i32
    %dma_wait3A_14 = tpu.memref_slice %arg2[%dma_wait3A_13, %mul3A_2] : memref<50x4096xi32, #tpu.memory_space<hbm>> -> memref<50x128xi32, #tpu.memory_space<hbm>>
    tpu.wait_dma2 semaphore(%arg25 : memref<!tpu.dma_semaphore, #tpu.memory_space<semaphore_mem>>) src(%dma_wait3A_14 : memref<50x128xi32, #tpu.memory_space<hbm>>) dst(%arg6 : memref<50x128xi32, #tpu.memory_space<vmem>>)
    %dma_wait3A_15 = arith.constant 0 : i32
    %dma_wait3A_16 = tpu.memref_slice %arg3[%dma_wait3A_15, %mul3A_2] : memref<50x4096xi32, #tpu.memory_space<hbm>> -> memref<50x128xi32, #tpu.memory_space<hbm>>
    %dma_wait3A_17 = arith.constant 0 : i32
    %dma_wait3A_18 = tpu.memref_slice %arg3[%dma_wait3A_17, %mul3A_2] : memref<50x4096xi32, #tpu.memory_space<hbm>> -> memref<50x128xi32, #tpu.memory_space<hbm>>
    tpu.wait_dma2 semaphore(%arg26 : memref<!tpu.dma_semaphore, #tpu.memory_space<semaphore_mem>>) src(%dma_wait3A_18 : memref<50x128xi32, #tpu.memory_space<hbm>>) dst(%arg7 : memref<50x128xi32, #tpu.memory_space<vmem>>)
    %scan3A = arith.constant 0 : i32
    %scan3A_19 = arith.constant 0 : i32
    %scan3A_20 = arith.constant 8 : i32
    %scan3A_21 = arith.addi %scan3A_19, %scan3A_20 : i32
    %scan3A_22 = arith.constant 1 : i32
    scf.for %scan3A_85 = %scan3A_19 to %scan3A_21 step %scan3A_22  : i32 {
      %mul3A_86 = arith.constant 16 : i32
      %mul3A_87 = arith.muli %scan3A_85, %mul3A_86 : i32
      %get3A = arith.constant 0 : i32
      %get3A_88 = arith.index_cast %get3A : i32 to index
      %get3A_89 = arith.index_cast %mul3A_87 : i32 to index
      %get3A_90 = tpu.vector_load %arg6[%get3A_88, %get3A_89] {strides = array<i32>} : memref<50x128xi32, #tpu.memory_space<vmem>>, vector<1x16xi32>,
      %get3A_91 = vector.shape_cast %get3A_90 : vector<1x16xi32> to vector<16xi32>
      %get3A_92 = arith.constant 0 : i32
      %get3A_93 = arith.index_cast %get3A_92 : i32 to index
      %get3A_94 = arith.index_cast %mul3A_87 : i32 to index
      %get3A_95 = tpu.vector_load %arg7[%get3A_93, %get3A_94] {strides = array<i32>} : memref<50x128xi32, #tpu.memory_space<vmem>>, vector<1x16xi32>,
      %get3A_96 = vector.shape_cast %get3A_95 : vector<1x16xi32> to vector<16xi32>
      %mul3A_97 = arith.constant 10 : i32
      %mul3A_98 = vector.broadcast %mul3A_97 : i32 to vector<16xi32>
      %mul3A_99 = arith.muli %get3A_91, %mul3A_98 : vector<16xi32>
      %add3A_100 = arith.addi %mul3A_99, %get3A_96 : vector<16xi32>
      %swap3A = arith.constant 0 : i32
      %swap3A_101 = arith.index_cast %swap3A : i32 to index
      %swap3A_102 = arith.index_cast %mul3A_87 : i32 to index
      %swap3A_103 = tpu.vector_load %arg8[%swap3A_101, %swap3A_102] {strides = array<i32>} : memref<50x128xi32, #tpu.memory_space<vmem>>, vector<1x16xi32>,
      %swap3A_104 = vector.shape_cast %swap3A_103 : vector<1x16xi32> to vector<16xi32>
      %swap3A_105 = vector.shape_cast %add3A_100 : vector<16xi32> to vector<1x16xi32>
      tpu.vector_store %arg8[%swap3A_101, %swap3A_102], %swap3A_105 {strides = array<i32>} : memref<50x128xi32, #tpu.memory_space<vmem>>, vector<1x16xi32>,
    }
    %scan3A_23 = arith.constant 8 : i32
    %dma_start3A_24 = arith.constant 0 : i32
    %dma_start3A_25 = arith.constant 0 : i32
    %dma_start3A_26 = tpu.memref_slice %arg8[%dma_start3A_24, %dma_start3A_25] : memref<50x128xi32, #tpu.memory_space<vmem>> -> memref<1x128xi32, #tpu.memory_space<vmem>>
    %dma_start3A_27 = tpu.memref_squeeze %dma_start3A_26 : memref<1x128xi32, #tpu.memory_space<vmem>> -> memref<128xi32, #tpu.memory_space<vmem>>
    %dma_start3A_28 = arith.constant 0 : i32
    %dma_start3A_29 = arith.constant 0 : i32
    %dma_start3A_30 = tpu.memref_slice %arg24[%dma_start3A_28, %dma_start3A_29] : memref<1000x128xf32, #tpu.memory_space<vmem_shared>> -> memref<1000x128xf32, #tpu.memory_space<vmem_shared>>
    tpu.enqueue_indirect_dma source(%dma_start3A_30 : memref<1000x128xf32, #tpu.memory_space<vmem_shared>>) target(%arg9 : memref<128x128xf32, #tpu.memory_space<vmem>>) offsets(%dma_start3A_27 : memref<128xi32, #tpu.memory_space<vmem>>) semaphore(%arg14 : memref<!tpu.dma_semaphore, #tpu.memory_space<semaphore_mem>>)
    %scan3A_31 = arith.constant 0 : i32
    %scan3A_32 = arith.constant 0 : i32
    %scan3A_33 = arith.constant 8 : i32
    %scan3A_34 = arith.addi %scan3A_32, %scan3A_33 : i32
    %scan3A_35 = arith.constant 1 : i32
    scf.for %scan3A_85 = %scan3A_32 to %scan3A_34 step %scan3A_35  : i32 {
      %mul3A_86 = arith.constant 16 : i32
      %mul3A_87 = arith.muli %scan3A_85, %mul3A_86 : i32
      %get3A = arith.constant 1 : i32
      %get3A_88 = arith.index_cast %get3A : i32 to index
      %get3A_89 = arith.index_cast %mul3A_87 : i32 to index
      %get3A_90 = tpu.vector_load %arg6[%get3A_88, %get3A_89] {strides = array<i32>} : memref<50x128xi32, #tpu.memory_space<vmem>>, vector<1x16xi32>,
      %get3A_91 = vector.shape_cast %get3A_90 : vector<1x16xi32> to vector<16xi32>
      %get3A_92 = arith.constant 1 : i32
      %get3A_93 = arith.index_cast %get3A_92 : i32 to index
      %get3A_94 = arith.index_cast %mul3A_87 : i32 to index
      %get3A_95 = tpu.vector_load %arg7[%get3A_93, %get3A_94] {strides = array<i32>} : memref<50x128xi32, #tpu.memory_space<vmem>>, vector<1x16xi32>,
      %get3A_96 = vector.shape_cast %get3A_95 : vector<1x16xi32> to vector<16xi32>
      %mul3A_97 = arith.constant 10 : i32
      %mul3A_98 = vector.broadcast %mul3A_97 : i32 to vector<16xi32>
      %mul3A_99 = arith.muli %get3A_91, %mul3A_98 : vector<16xi32>
      %add3A_100 = arith.addi %mul3A_99, %get3A_96 : vector<16xi32>
      %swap3A = arith.constant 1 : i32
      %swap3A_101 = arith.index_cast %swap3A : i32 to index
      %swap3A_102 = arith.index_cast %mul3A_87 : i32 to index
      %swap3A_103 = tpu.vector_load %arg8[%swap3A_101, %swap3A_102] {strides = array<i32>} : memref<50x128xi32, #tpu.memory_space<vmem>>, vector<1x16xi32>,
      %swap3A_104 = vector.shape_cast %swap3A_103 : vector<1x16xi32> to vector<16xi32>
      %swap3A_105 = vector.shape_cast %add3A_100 : vector<16xi32> to vector<1x16xi32>
      tpu.vector_store %arg8[%swap3A_101, %swap3A_102], %swap3A_105 {strides = array<i32>} : memref<50x128xi32, #tpu.memory_space<vmem>>, vector<1x16xi32>,
    }
    %scan3A_36 = arith.constant 8 : i32
    %dma_start3A_37 = arith.constant 1 : i32
    %dma_start3A_38 = arith.constant 0 : i32
    %dma_start3A_39 = tpu.memref_slice %arg8[%dma_start3A_37, %dma_start3A_38] : memref<50x128xi32, #tpu.memory_space<vmem>> -> memref<1x128xi32, #tpu.memory_space<vmem>>
    %dma_start3A_40 = tpu.memref_squeeze %dma_start3A_39 : memref<1x128xi32, #tpu.memory_space<vmem>> -> memref<128xi32, #tpu.memory_space<vmem>>
    %dma_start3A_41 = arith.constant 0 : i32
    %dma_start3A_42 = arith.constant 0 : i32
    %dma_start3A_43 = tpu.memref_slice %arg24[%dma_start3A_41, %dma_start3A_42] : memref<1000x128xf32, #tpu.memory_space<vmem_shared>> -> memref<1000x128xf32, #tpu.memory_space<vmem_shared>>
    tpu.enqueue_indirect_dma source(%dma_start3A_43 : memref<1000x128xf32, #tpu.memory_space<vmem_shared>>) target(%arg10 : memref<128x128xf32, #tpu.memory_space<vmem>>) offsets(%dma_start3A_40 : memref<128xi32, #tpu.memory_space<vmem>>) semaphore(%arg15 : memref<!tpu.dma_semaphore, #tpu.memory_space<semaphore_mem>>)
    %scan3A_44 = arith.constant 0 : i32
    %scan3A_45 = arith.constant 0 : i32
    %scan3A_46 = arith.constant 10 : i32
    %scan3A_47 = arith.addi %scan3A_45, %scan3A_46 : i32
    %scan3A_48 = arith.constant 1 : i32
    scf.for %scan3A_85 = %scan3A_45 to %scan3A_47 step %scan3A_48  : i32 {
      %mul3A_86 = arith.constant 5 : i32
      %mul3A_87 = arith.muli %scan3A_85, %mul3A_86 : i32
      %add3A_88 = arith.constant 0 : i32
      %add3A_89 = arith.addi %mul3A_87, %add3A_88 : i32
      %add3A_90 = arith.constant 2 : i32
      %add3A_91 = arith.addi %add3A_89, %add3A_90 : i32
      %ge3A = arith.constant 5 : i32
      %ge3A_92 = arith.cmpi sge, %add3A_91, %ge3A : i32
      %add3A_93 = arith.constant 2 : i32
      %add3A_94 = arith.addi %add3A_89, %add3A_93 : i32
      %lt3A = arith.constant 50 : i32
      %lt3A_95 = arith.cmpi slt, %add3A_94, %lt3A : i32
      %and3A = arith.andi %ge3A_92, %lt3A_95 : i1
      %convert_element_type3A_96 = arith.extui %and3A : i1 to i32
      %cond3A_97 = arith.constant 0 : i32
      %cond3A_98 = arith.cmpi ne, %convert_element_type3A_96, %cond3A_97 : i32
      scf.if %cond3A_98 {
        %dma_wait3A_263 = arith.constant 0 : i32
        %dma_wait3A_264 = arith.constant 0 : i32
        %dma_wait3A_265 = tpu.memref_slice %arg5[%dma_wait3A_263, %mul3A_2, %dma_wait3A_264] : memref<50x4096x128xf32, #tpu.memory_space<hbm>> -> memref<1x128x128xf32, #tpu.memory_space<hbm>>
        %dma_wait3A_266 = tpu.memref_squeeze %dma_wait3A_265 : memref<1x128x128xf32, #tpu.memory_space<hbm>> -> memref<128x128xf32, #tpu.memory_space<hbm>>
        %dma_wait3A_267 = arith.constant 0 : i32
        %dma_wait3A_268 = tpu.memref_slice %arg5[%dma_wait3A_263, %mul3A_2, %dma_wait3A_267] : memref<50x4096x128xf32, #tpu.memory_space<hbm>> -> memref<1x128x128xf32, #tpu.memory_space<hbm>>
        %dma_wait3A_269 = tpu.memref_squeeze %dma_wait3A_268 : memref<1x128x128xf32, #tpu.memory_space<hbm>> -> memref<128x128xf32, #tpu.memory_space<hbm>>
        tpu.wait_dma2 semaphore(%arg21 : memref<!tpu.dma_semaphore, #tpu.memory_space<semaphore_mem>>) src(%arg11 : memref<128x128xf32, #tpu.memory_space<vmem>>) dst(%dma_wait3A_269 : memref<128x128xf32, #tpu.memory_space<hbm>>)
      } else {
      }
      %add3A_99 = arith.constant 2 : i32
      %add3A_100 = arith.addi %add3A_89, %add3A_99 : i32
      %lt3A_101 = arith.constant 50 : i32
      %lt3A_102 = arith.cmpi slt, %add3A_100, %lt3A_101 : i32
      %convert_element_type3A_103 = arith.extui %lt3A_102 : i1 to i32
      %cond3A_104 = arith.constant 0 : i32
      %cond3A_105 = arith.cmpi ne, %convert_element_type3A_103, %cond3A_104 : i32
      scf.if %cond3A_105 {
        %add3A_263 = arith.constant 2 : i32
        %add3A_264 = arith.addi %add3A_89, %add3A_263 : i32
        %scan3A_265 = arith.constant 0 : i32
        %scan3A_266 = arith.constant 0 : i32
        %scan3A_267 = arith.constant 8 : i32
        %scan3A_268 = arith.addi %scan3A_266, %scan3A_267 : i32
        %scan3A_269 = arith.constant 1 : i32
        scf.for %scan3A_279 = %scan3A_266 to %scan3A_268 step %scan3A_269  : i32 {
          %mul3A_280 = arith.constant 16 : i32
          %mul3A_281 = arith.muli %scan3A_279, %mul3A_280 : i32
          %get3A = arith.index_cast %add3A_264 : i32 to index
          %get3A_282 = arith.index_cast %mul3A_281 : i32 to index
          %get3A_283 = tpu.vector_load %arg6[%get3A, %get3A_282] {strides = array<i32>} : memref<50x128xi32, #tpu.memory_space<vmem>>, vector<1x16xi32>,
          %get3A_284 = vector.shape_cast %get3A_283 : vector<1x16xi32> to vector<16xi32>
          %get3A_285 = arith.index_cast %add3A_264 : i32 to index
          %get3A_286 = arith.index_cast %mul3A_281 : i32 to index
          %get3A_287 = tpu.vector_load %arg7[%get3A_285, %get3A_286] {strides = array<i32>} : memref<50x128xi32, #tpu.memory_space<vmem>>, vector<1x16xi32>,
          %get3A_288 = vector.shape_cast %get3A_287 : vector<1x16xi32> to vector<16xi32>
          %mul3A_289 = arith.constant 10 : i32
          %mul3A_290 = vector.broadcast %mul3A_289 : i32 to vector<16xi32>
          %mul3A_291 = arith.muli %get3A_284, %mul3A_290 : vector<16xi32>
          %add3A_292 = arith.addi %mul3A_291, %get3A_288 : vector<16xi32>
          %swap3A = arith.index_cast %add3A_264 : i32 to index
          %swap3A_293 = arith.index_cast %mul3A_281 : i32 to index
          %swap3A_294 = tpu.vector_load %arg8[%swap3A, %swap3A_293] {strides = array<i32>} : memref<50x128xi32, #tpu.memory_space<vmem>>, vector<1x16xi32>,
          %swap3A_295 = vector.shape_cast %swap3A_294 : vector<1x16xi32> to vector<16xi32>
          %swap3A_296 = vector.shape_cast %add3A_292 : vector<16xi32> to vector<1x16xi32>
          tpu.vector_store %arg8[%swap3A, %swap3A_293], %swap3A_296 {strides = array<i32>} : memref<50x128xi32, #tpu.memory_space<vmem>>, vector<1x16xi32>,
        }
        %scan3A_270 = arith.constant 8 : i32
        %add3A_271 = arith.constant 2 : i32
        %add3A_272 = arith.addi %add3A_89, %add3A_271 : i32
        %dma_start3A_273 = arith.constant 0 : i32
        %dma_start3A_274 = tpu.memref_slice %arg8[%add3A_272, %dma_start3A_273] : memref<50x128xi32, #tpu.memory_space<vmem>> -> memref<1x128xi32, #tpu.memory_space<vmem>>
        %dma_start3A_275 = tpu.memref_squeeze %dma_start3A_274 : memref<1x128xi32, #tpu.memory_space<vmem>> -> memref<128xi32, #tpu.memory_space<vmem>>
        %dma_start3A_276 = arith.constant 0 : i32
        %dma_start3A_277 = arith.constant 0 : i32
        %dma_start3A_278 = tpu.memref_slice %arg24[%dma_start3A_276, %dma_start3A_277] : memref<1000x128xf32, #tpu.memory_space<vmem_shared>> -> memref<1000x128xf32, #tpu.memory_space<vmem_shared>>
        tpu.enqueue_indirect_dma source(%dma_start3A_278 : memref<1000x128xf32, #tpu.memory_space<vmem_shared>>) target(%arg11 : memref<128x128xf32, #tpu.memory_space<vmem>>) offsets(%dma_start3A_275 : memref<128xi32, #tpu.memory_space<vmem>>) semaphore(%arg16 : memref<!tpu.dma_semaphore, #tpu.memory_space<semaphore_mem>>)
      } else {
      }
      %dma_wait3A_106 = arith.constant 0 : i32
      %dma_wait3A_107 = arith.constant 0 : i32
      %dma_wait3A_108 = tpu.memref_slice %arg8[%dma_wait3A_106, %dma_wait3A_107] : memref<50x128xi32, #tpu.memory_space<vmem>> -> memref<1x128xi32, #tpu.memory_space<vmem>>
      %dma_wait3A_109 = tpu.memref_squeeze %dma_wait3A_108 : memref<1x128xi32, #tpu.memory_space<vmem>> -> memref<128xi32, #tpu.memory_space<vmem>>
      %dma_wait3A_110 = arith.constant 0 : i32
      %dma_wait3A_111 = arith.constant 0 : i32
      %dma_wait3A_112 = tpu.memref_slice %arg24[%dma_wait3A_110, %dma_wait3A_111] : memref<1000x128xf32, #tpu.memory_space<vmem_shared>> -> memref<1000x128xf32, #tpu.memory_space<vmem_shared>>
      tpu.wait_indirect_dma semaphore(%arg14 : memref<!tpu.dma_semaphore, #tpu.memory_space<semaphore_mem>>) src(%dma_wait3A_112 : memref<1000x128xf32, #tpu.memory_space<vmem_shared>>) dst(%arg9 : memref<128x128xf32, #tpu.memory_space<vmem>>)
      %dma_start3A_113 = arith.constant 0 : i32
      %dma_start3A_114 = tpu.memref_slice %arg5[%add3A_89, %mul3A_2, %dma_start3A_113] : memref<50x4096x128xf32, #tpu.memory_space<hbm>> -> memref<1x128x128xf32, #tpu.memory_space<hbm>>
      %dma_start3A_115 = tpu.memref_squeeze %dma_start3A_114 : memref<1x128x128xf32, #tpu.memory_space<hbm>> -> memref<128x128xf32, #tpu.memory_space<hbm>>
      %dma_start3A_116 = arith.constant 0 : i32
      %dma_start3A_117 = tpu.memref_slice %arg5[%add3A_89, %mul3A_2, %dma_start3A_116] : memref<50x4096x128xf32, #tpu.memory_space<hbm>> -> memref<1x128x128xf32, #tpu.memory_space<hbm>>
      %dma_start3A_118 = tpu.memref_squeeze %dma_start3A_117 : memref<1x128x128xf32, #tpu.memory_space<hbm>> -> memref<128x128xf32, #tpu.memory_space<hbm>>
      tpu.enqueue_dma source(%arg9 : memref<128x128xf32, #tpu.memory_space<vmem>>) target(%dma_start3A_118 : memref<128x128xf32, #tpu.memory_space<hbm>>) target_semaphore(%arg19 : memref<!tpu.dma_semaphore, #tpu.memory_space<semaphore_mem>>)
      %mul3A_119 = arith.constant 5 : i32
      %mul3A_120 = arith.muli %scan3A_85, %mul3A_119 : i32
      %add3A_121 = arith.constant 1 : i32
      %add3A_122 = arith.addi %mul3A_120, %add3A_121 : i32
      %add3A_123 = arith.constant 2 : i32
      %add3A_124 = arith.addi %add3A_122, %add3A_123 : i32
      %ge3A_125 = arith.constant 5 : i32
      %ge3A_126 = arith.cmpi sge, %add3A_124, %ge3A_125 : i32
      %add3A_127 = arith.constant 2 : i32
      %add3A_128 = arith.addi %add3A_122, %add3A_127 : i32
      %lt3A_129 = arith.constant 50 : i32
      %lt3A_130 = arith.cmpi slt, %add3A_128, %lt3A_129 : i32
      %and3A_131 = arith.andi %ge3A_126, %lt3A_130 : i1
      %convert_element_type3A_132 = arith.extui %and3A_131 : i1 to i32
      %cond3A_133 = arith.constant 0 : i32
      %cond3A_134 = arith.cmpi ne, %convert_element_type3A_132, %cond3A_133 : i32
      scf.if %cond3A_134 {
        %dma_wait3A_263 = arith.constant 0 : i32
        %dma_wait3A_264 = arith.constant 0 : i32
        %dma_wait3A_265 = tpu.memref_slice %arg5[%dma_wait3A_263, %mul3A_2, %dma_wait3A_264] : memref<50x4096x128xf32, #tpu.memory_space<hbm>> -> memref<1x128x128xf32, #tpu.memory_space<hbm>>
        %dma_wait3A_266 = tpu.memref_squeeze %dma_wait3A_265 : memref<1x128x128xf32, #tpu.memory_space<hbm>> -> memref<128x128xf32, #tpu.memory_space<hbm>>
        %dma_wait3A_267 = arith.constant 0 : i32
        %dma_wait3A_268 = tpu.memref_slice %arg5[%dma_wait3A_263, %mul3A_2, %dma_wait3A_267] : memref<50x4096x128xf32, #tpu.memory_space<hbm>> -> memref<1x128x128xf32, #tpu.memory_space<hbm>>
        %dma_wait3A_269 = tpu.memref_squeeze %dma_wait3A_268 : memref<1x128x128xf32, #tpu.memory_space<hbm>> -> memref<128x128xf32, #tpu.memory_space<hbm>>
        tpu.wait_dma2 semaphore(%arg22 : memref<!tpu.dma_semaphore, #tpu.memory_space<semaphore_mem>>) src(%arg12 : memref<128x128xf32, #tpu.memory_space<vmem>>) dst(%dma_wait3A_269 : memref<128x128xf32, #tpu.memory_space<hbm>>)
      } else {
      }
      %add3A_135 = arith.constant 2 : i32
      %add3A_136 = arith.addi %add3A_122, %add3A_135 : i32
      %lt3A_137 = arith.constant 50 : i32
      %lt3A_138 = arith.cmpi slt, %add3A_136, %lt3A_137 : i32
      %convert_element_type3A_139 = arith.extui %lt3A_138 : i1 to i32
      %cond3A_140 = arith.constant 0 : i32
      %cond3A_141 = arith.cmpi ne, %convert_element_type3A_139, %cond3A_140 : i32
      scf.if %cond3A_141 {
        %add3A_263 = arith.constant 2 : i32
        %add3A_264 = arith.addi %add3A_122, %add3A_263 : i32
        %scan3A_265 = arith.constant 0 : i32
        %scan3A_266 = arith.constant 0 : i32
        %scan3A_267 = arith.constant 8 : i32
        %scan3A_268 = arith.addi %scan3A_266, %scan3A_267 : i32
        %scan3A_269 = arith.constant 1 : i32
        scf.for %scan3A_279 = %scan3A_266 to %scan3A_268 step %scan3A_269  : i32 {
          %mul3A_280 = arith.constant 16 : i32
          %mul3A_281 = arith.muli %scan3A_279, %mul3A_280 : i32
          %get3A = arith.index_cast %add3A_264 : i32 to index
          %get3A_282 = arith.index_cast %mul3A_281 : i32 to index
          %get3A_283 = tpu.vector_load %arg6[%get3A, %get3A_282] {strides = array<i32>} : memref<50x128xi32, #tpu.memory_space<vmem>>, vector<1x16xi32>,
          %get3A_284 = vector.shape_cast %get3A_283 : vector<1x16xi32> to vector<16xi32>
          %get3A_285 = arith.index_cast %add3A_264 : i32 to index
          %get3A_286 = arith.index_cast %mul3A_281 : i32 to index
          %get3A_287 = tpu.vector_load %arg7[%get3A_285, %get3A_286] {strides = array<i32>} : memref<50x128xi32, #tpu.memory_space<vmem>>, vector<1x16xi32>,
          %get3A_288 = vector.shape_cast %get3A_287 : vector<1x16xi32> to vector<16xi32>
          %mul3A_289 = arith.constant 10 : i32
          %mul3A_290 = vector.broadcast %mul3A_289 : i32 to vector<16xi32>
          %mul3A_291 = arith.muli %get3A_284, %mul3A_290 : vector<16xi32>
          %add3A_292 = arith.addi %mul3A_291, %get3A_288 : vector<16xi32>
          %swap3A = arith.index_cast %add3A_264 : i32 to index
          %swap3A_293 = arith.index_cast %mul3A_281 : i32 to index
          %swap3A_294 = tpu.vector_load %arg8[%swap3A, %swap3A_293] {strides = array<i32>} : memref<50x128xi32, #tpu.memory_space<vmem>>, vector<1x16xi32>,
          %swap3A_295 = vector.shape_cast %swap3A_294 : vector<1x16xi32> to vector<16xi32>
          %swap3A_296 = vector.shape_cast %add3A_292 : vector<16xi32> to vector<1x16xi32>
          tpu.vector_store %arg8[%swap3A, %swap3A_293], %swap3A_296 {strides = array<i32>} : memref<50x128xi32, #tpu.memory_space<vmem>>, vector<1x16xi32>,
        }
        %scan3A_270 = arith.constant 8 : i32
        %add3A_271 = arith.constant 2 : i32
        %add3A_272 = arith.addi %add3A_122, %add3A_271 : i32
        %dma_start3A_273 = arith.constant 0 : i32
        %dma_start3A_274 = tpu.memref_slice %arg8[%add3A_272, %dma_start3A_273] : memref<50x128xi32, #tpu.memory_space<vmem>> -> memref<1x128xi32, #tpu.memory_space<vmem>>
        %dma_start3A_275 = tpu.memref_squeeze %dma_start3A_274 : memref<1x128xi32, #tpu.memory_space<vmem>> -> memref<128xi32, #tpu.memory_space<vmem>>
        %dma_start3A_276 = arith.constant 0 : i32
        %dma_start3A_277 = arith.constant 0 : i32
        %dma_start3A_278 = tpu.memref_slice %arg24[%dma_start3A_276, %dma_start3A_277] : memref<1000x128xf32, #tpu.memory_space<vmem_shared>> -> memref<1000x128xf32, #tpu.memory_space<vmem_shared>>
        tpu.enqueue_indirect_dma source(%dma_start3A_278 : memref<1000x128xf32, #tpu.memory_space<vmem_shared>>) target(%arg12 : memref<128x128xf32, #tpu.memory_space<vmem>>) offsets(%dma_start3A_275 : memref<128xi32, #tpu.memory_space<vmem>>) semaphore(%arg17 : memref<!tpu.dma_semaphore, #tpu.memory_space<semaphore_mem>>)
      } else {
      }
      %dma_wait3A_142 = arith.constant 0 : i32
      %dma_wait3A_143 = arith.constant 0 : i32
      %dma_wait3A_144 = tpu.memref_slice %arg8[%dma_wait3A_142, %dma_wait3A_143] : memref<50x128xi32, #tpu.memory_space<vmem>> -> memref<1x128xi32, #tpu.memory_space<vmem>>
      %dma_wait3A_145 = tpu.memref_squeeze %dma_wait3A_144 : memref<1x128xi32, #tpu.memory_space<vmem>> -> memref<128xi32, #tpu.memory_space<vmem>>
      %dma_wait3A_146 = arith.constant 0 : i32
      %dma_wait3A_147 = arith.constant 0 : i32
      %dma_wait3A_148 = tpu.memref_slice %arg24[%dma_wait3A_146, %dma_wait3A_147] : memref<1000x128xf32, #tpu.memory_space<vmem_shared>> -> memref<1000x128xf32, #tpu.memory_space<vmem_shared>>
      tpu.wait_indirect_dma semaphore(%arg15 : memref<!tpu.dma_semaphore, #tpu.memory_space<semaphore_mem>>) src(%dma_wait3A_148 : memref<1000x128xf32, #tpu.memory_space<vmem_shared>>) dst(%arg10 : memref<128x128xf32, #tpu.memory_space<vmem>>)
      %dma_start3A_149 = arith.constant 0 : i32
      %dma_start3A_150 = tpu.memref_slice %arg5[%add3A_122, %mul3A_2, %dma_start3A_149] : memref<50x4096x128xf32, #tpu.memory_space<hbm>> -> memref<1x128x128xf32, #tpu.memory_space<hbm>>
      %dma_start3A_151 = tpu.memref_squeeze %dma_start3A_150 : memref<1x128x128xf32, #tpu.memory_space<hbm>> -> memref<128x128xf32, #tpu.memory_space<hbm>>
      %dma_start3A_152 = arith.constant 0 : i32
      %dma_start3A_153 = tpu.memref_slice %arg5[%add3A_122, %mul3A_2, %dma_start3A_152] : memref<50x4096x128xf32, #tpu.memory_space<hbm>> -> memref<1x128x128xf32, #tpu.memory_space<hbm>>
      %dma_start3A_154 = tpu.memref_squeeze %dma_start3A_153 : memref<1x128x128xf32, #tpu.memory_space<hbm>> -> memref<128x128xf32, #tpu.memory_space<hbm>>
      tpu.enqueue_dma source(%arg10 : memref<128x128xf32, #tpu.memory_space<vmem>>) target(%dma_start3A_154 : memref<128x128xf32, #tpu.memory_space<hbm>>) target_semaphore(%arg20 : memref<!tpu.dma_semaphore, #tpu.memory_space<semaphore_mem>>)
      %mul3A_155 = arith.constant 5 : i32
      %mul3A_156 = arith.muli %scan3A_85, %mul3A_155 : i32
      %add3A_157 = arith.constant 2 : i32
      %add3A_158 = arith.addi %mul3A_156, %add3A_157 : i32
      %add3A_159 = arith.constant 2 : i32
      %add3A_160 = arith.addi %add3A_158, %add3A_159 : i32
      %ge3A_161 = arith.constant 5 : i32
      %ge3A_162 = arith.cmpi sge, %add3A_160, %ge3A_161 : i32
      %add3A_163 = arith.constant 2 : i32
      %add3A_164 = arith.addi %add3A_158, %add3A_163 : i32
      %lt3A_165 = arith.constant 50 : i32
      %lt3A_166 = arith.cmpi slt, %add3A_164, %lt3A_165 : i32
      %and3A_167 = arith.andi %ge3A_162, %lt3A_166 : i1
      %convert_element_type3A_168 = arith.extui %and3A_167 : i1 to i32
      %cond3A_169 = arith.constant 0 : i32
      %cond3A_170 = arith.cmpi ne, %convert_element_type3A_168, %cond3A_169 : i32
      scf.if %cond3A_170 {
        %dma_wait3A_263 = arith.constant 0 : i32
        %dma_wait3A_264 = arith.constant 0 : i32
        %dma_wait3A_265 = tpu.memref_slice %arg5[%dma_wait3A_263, %mul3A_2, %dma_wait3A_264] : memref<50x4096x128xf32, #tpu.memory_space<hbm>> -> memref<1x128x128xf32, #tpu.memory_space<hbm>>
        %dma_wait3A_266 = tpu.memref_squeeze %dma_wait3A_265 : memref<1x128x128xf32, #tpu.memory_space<hbm>> -> memref<128x128xf32, #tpu.memory_space<hbm>>
        %dma_wait3A_267 = arith.constant 0 : i32
        %dma_wait3A_268 = tpu.memref_slice %arg5[%dma_wait3A_263, %mul3A_2, %dma_wait3A_267] : memref<50x4096x128xf32, #tpu.memory_space<hbm>> -> memref<1x128x128xf32, #tpu.memory_space<hbm>>
        %dma_wait3A_269 = tpu.memref_squeeze %dma_wait3A_268 : memref<1x128x128xf32, #tpu.memory_space<hbm>> -> memref<128x128xf32, #tpu.memory_space<hbm>>
        tpu.wait_dma2 semaphore(%arg23 : memref<!tpu.dma_semaphore, #tpu.memory_space<semaphore_mem>>) src(%arg13 : memref<128x128xf32, #tpu.memory_space<vmem>>) dst(%dma_wait3A_269 : memref<128x128xf32, #tpu.memory_space<hbm>>)
      } else {
      }
      %add3A_171 = arith.constant 2 : i32
      %add3A_172 = arith.addi %add3A_158, %add3A_171 : i32
      %lt3A_173 = arith.constant 50 : i32
      %lt3A_174 = arith.cmpi slt, %add3A_172, %lt3A_173 : i32
      %convert_element_type3A_175 = arith.extui %lt3A_174 : i1 to i32
      %cond3A_176 = arith.constant 0 : i32
      %cond3A_177 = arith.cmpi ne, %convert_element_type3A_175, %cond3A_176 : i32
      scf.if %cond3A_177 {
        %add3A_263 = arith.constant 2 : i32
        %add3A_264 = arith.addi %add3A_158, %add3A_263 : i32
        %scan3A_265 = arith.constant 0 : i32
        %scan3A_266 = arith.constant 0 : i32
        %scan3A_267 = arith.constant 8 : i32
        %scan3A_268 = arith.addi %scan3A_266, %scan3A_267 : i32
        %scan3A_269 = arith.constant 1 : i32
        scf.for %scan3A_279 = %scan3A_266 to %scan3A_268 step %scan3A_269  : i32 {
          %mul3A_280 = arith.constant 16 : i32
          %mul3A_281 = arith.muli %scan3A_279, %mul3A_280 : i32
          %get3A = arith.index_cast %add3A_264 : i32 to index
          %get3A_282 = arith.index_cast %mul3A_281 : i32 to index
          %get3A_283 = tpu.vector_load %arg6[%get3A, %get3A_282] {strides = array<i32>} : memref<50x128xi32, #tpu.memory_space<vmem>>, vector<1x16xi32>,
          %get3A_284 = vector.shape_cast %get3A_283 : vector<1x16xi32> to vector<16xi32>
          %get3A_285 = arith.index_cast %add3A_264 : i32 to index
          %get3A_286 = arith.index_cast %mul3A_281 : i32 to index
          %get3A_287 = tpu.vector_load %arg7[%get3A_285, %get3A_286] {strides = array<i32>} : memref<50x128xi32, #tpu.memory_space<vmem>>, vector<1x16xi32>,
          %get3A_288 = vector.shape_cast %get3A_287 : vector<1x16xi32> to vector<16xi32>
          %mul3A_289 = arith.constant 10 : i32
          %mul3A_290 = vector.broadcast %mul3A_289 : i32 to vector<16xi32>
          %mul3A_291 = arith.muli %get3A_284, %mul3A_290 : vector<16xi32>
          %add3A_292 = arith.addi %mul3A_291, %get3A_288 : vector<16xi32>
          %swap3A = arith.index_cast %add3A_264 : i32 to index
          %swap3A_293 = arith.index_cast %mul3A_281 : i32 to index
          %swap3A_294 = tpu.vector_load %arg8[%swap3A, %swap3A_293] {strides = array<i32>} : memref<50x128xi32, #tpu.memory_space<vmem>>, vector<1x16xi32>,
          %swap3A_295 = vector.shape_cast %swap3A_294 : vector<1x16xi32> to vector<16xi32>
          %swap3A_296 = vector.shape_cast %add3A_292 : vector<16xi32> to vector<1x16xi32>
          tpu.vector_store %arg8[%swap3A, %swap3A_293], %swap3A_296 {strides = array<i32>} : memref<50x128xi32, #tpu.memory_space<vmem>>, vector<1x16xi32>,
        }
        %scan3A_270 = arith.constant 8 : i32
        %add3A_271 = arith.constant 2 : i32
        %add3A_272 = arith.addi %add3A_158, %add3A_271 : i32
        %dma_start3A_273 = arith.constant 0 : i32
        %dma_start3A_274 = tpu.memref_slice %arg8[%add3A_272, %dma_start3A_273] : memref<50x128xi32, #tpu.memory_space<vmem>> -> memref<1x128xi32, #tpu.memory_space<vmem>>
        %dma_start3A_275 = tpu.memref_squeeze %dma_start3A_274 : memref<1x128xi32, #tpu.memory_space<vmem>> -> memref<128xi32, #tpu.memory_space<vmem>>
        %dma_start3A_276 = arith.constant 0 : i32
        %dma_start3A_277 = arith.constant 0 : i32
        %dma_start3A_278 = tpu.memref_slice %arg24[%dma_start3A_276, %dma_start3A_277] : memref<1000x128xf32, #tpu.memory_space<vmem_shared>> -> memref<1000x128xf32, #tpu.memory_space<vmem_shared>>
        tpu.enqueue_indirect_dma source(%dma_start3A_278 : memref<1000x128xf32, #tpu.memory_space<vmem_shared>>) target(%arg13 : memref<128x128xf32, #tpu.memory_space<vmem>>) offsets(%dma_start3A_275 : memref<128xi32, #tpu.memory_space<vmem>>) semaphore(%arg18 : memref<!tpu.dma_semaphore, #tpu.memory_space<semaphore_mem>>)
      } else {
      }
      %dma_wait3A_178 = arith.constant 0 : i32
      %dma_wait3A_179 = arith.constant 0 : i32
      %dma_wait3A_180 = tpu.memref_slice %arg8[%dma_wait3A_178, %dma_wait3A_179] : memref<50x128xi32, #tpu.memory_space<vmem>> -> memref<1x128xi32, #tpu.memory_space<vmem>>
      %dma_wait3A_181 = tpu.memref_squeeze %dma_wait3A_180 : memref<1x128xi32, #tpu.memory_space<vmem>> -> memref<128xi32, #tpu.memory_space<vmem>>
      %dma_wait3A_182 = arith.constant 0 : i32
      %dma_wait3A_183 = arith.constant 0 : i32
      %dma_wait3A_184 = tpu.memref_slice %arg24[%dma_wait3A_182, %dma_wait3A_183] : memref<1000x128xf32, #tpu.memory_space<vmem_shared>> -> memref<1000x128xf32, #tpu.memory_space<vmem_shared>>
      tpu.wait_indirect_dma semaphore(%arg16 : memref<!tpu.dma_semaphore, #tpu.memory_space<semaphore_mem>>) src(%dma_wait3A_184 : memref<1000x128xf32, #tpu.memory_space<vmem_shared>>) dst(%arg11 : memref<128x128xf32, #tpu.memory_space<vmem>>)
      %dma_start3A_185 = arith.constant 0 : i32
      %dma_start3A_186 = tpu.memref_slice %arg5[%add3A_158, %mul3A_2, %dma_start3A_185] : memref<50x4096x128xf32, #tpu.memory_space<hbm>> -> memref<1x128x128xf32, #tpu.memory_space<hbm>>
      %dma_start3A_187 = tpu.memref_squeeze %dma_start3A_186 : memref<1x128x128xf32, #tpu.memory_space<hbm>> -> memref<128x128xf32, #tpu.memory_space<hbm>>
      %dma_start3A_188 = arith.constant 0 : i32
      %dma_start3A_189 = tpu.memref_slice %arg5[%add3A_158, %mul3A_2, %dma_start3A_188] : memref<50x4096x128xf32, #tpu.memory_space<hbm>> -> memref<1x128x128xf32, #tpu.memory_space<hbm>>
      %dma_start3A_190 = tpu.memref_squeeze %dma_start3A_189 : memref<1x128x128xf32, #tpu.memory_space<hbm>> -> memref<128x128xf32, #tpu.memory_space<hbm>>
      tpu.enqueue_dma source(%arg11 : memref<128x128xf32, #tpu.memory_space<vmem>>) target(%dma_start3A_190 : memref<128x128xf32, #tpu.memory_space<hbm>>) target_semaphore(%arg21 : memref<!tpu.dma_semaphore, #tpu.memory_space<semaphore_mem>>)
      %mul3A_191 = arith.constant 5 : i32
      %mul3A_192 = arith.muli %scan3A_85, %mul3A_191 : i32
      %add3A_193 = arith.constant 3 : i32
      %add3A_194 = arith.addi %mul3A_192, %add3A_193 : i32
      %add3A_195 = arith.constant 2 : i32
      %add3A_196 = arith.addi %add3A_194, %add3A_195 : i32
      %ge3A_197 = arith.constant 5 : i32
      %ge3A_198 = arith.cmpi sge, %add3A_196, %ge3A_197 : i32
      %add3A_199 = arith.constant 2 : i32
      %add3A_200 = arith.addi %add3A_194, %add3A_199 : i32
      %lt3A_201 = arith.constant 50 : i32
      %lt3A_202 = arith.cmpi slt, %add3A_200, %lt3A_201 : i32
      %and3A_203 = arith.andi %ge3A_198, %lt3A_202 : i1
      %convert_element_type3A_204 = arith.extui %and3A_203 : i1 to i32
      %cond3A_205 = arith.constant 0 : i32
      %cond3A_206 = arith.cmpi ne, %convert_element_type3A_204, %cond3A_205 : i32
      scf.if %cond3A_206 {
        %dma_wait3A_263 = arith.constant 0 : i32
        %dma_wait3A_264 = arith.constant 0 : i32
        %dma_wait3A_265 = tpu.memref_slice %arg5[%dma_wait3A_263, %mul3A_2, %dma_wait3A_264] : memref<50x4096x128xf32, #tpu.memory_space<hbm>> -> memref<1x128x128xf32, #tpu.memory_space<hbm>>
        %dma_wait3A_266 = tpu.memref_squeeze %dma_wait3A_265 : memref<1x128x128xf32, #tpu.memory_space<hbm>> -> memref<128x128xf32, #tpu.memory_space<hbm>>
        %dma_wait3A_267 = arith.constant 0 : i32
        %dma_wait3A_268 = tpu.memref_slice %arg5[%dma_wait3A_263, %mul3A_2, %dma_wait3A_267] : memref<50x4096x128xf32, #tpu.memory_space<hbm>> -> memref<1x128x128xf32, #tpu.memory_space<hbm>>
        %dma_wait3A_269 = tpu.memref_squeeze %dma_wait3A_268 : memref<1x128x128xf32, #tpu.memory_space<hbm>> -> memref<128x128xf32, #tpu.memory_space<hbm>>
        tpu.wait_dma2 semaphore(%arg19 : memref<!tpu.dma_semaphore, #tpu.memory_space<semaphore_mem>>) src(%arg9 : memref<128x128xf32, #tpu.memory_space<vmem>>) dst(%dma_wait3A_269 : memref<128x128xf32, #tpu.memory_space<hbm>>)
      } else {
      }
      %add3A_207 = arith.constant 2 : i32
      %add3A_208 = arith.addi %add3A_194, %add3A_207 : i32
      %lt3A_209 = arith.constant 50 : i32
      %lt3A_210 = arith.cmpi slt, %add3A_208, %lt3A_209 : i32
      %convert_element_type3A_211 = arith.extui %lt3A_210 : i1 to i32
      %cond3A_212 = arith.constant 0 : i32
      %cond3A_213 = arith.cmpi ne, %convert_element_type3A_211, %cond3A_212 : i32
      scf.if %cond3A_213 {
        %add3A_263 = arith.constant 2 : i32
        %add3A_264 = arith.addi %add3A_194, %add3A_263 : i32
        %scan3A_265 = arith.constant 0 : i32
        %scan3A_266 = arith.constant 0 : i32
        %scan3A_267 = arith.constant 8 : i32
        %scan3A_268 = arith.addi %scan3A_266, %scan3A_267 : i32
        %scan3A_269 = arith.constant 1 : i32
        scf.for %scan3A_279 = %scan3A_266 to %scan3A_268 step %scan3A_269  : i32 {
          %mul3A_280 = arith.constant 16 : i32
          %mul3A_281 = arith.muli %scan3A_279, %mul3A_280 : i32
          %get3A = arith.index_cast %add3A_264 : i32 to index
          %get3A_282 = arith.index_cast %mul3A_281 : i32 to index
          %get3A_283 = tpu.vector_load %arg6[%get3A, %get3A_282] {strides = array<i32>} : memref<50x128xi32, #tpu.memory_space<vmem>>, vector<1x16xi32>,
          %get3A_284 = vector.shape_cast %get3A_283 : vector<1x16xi32> to vector<16xi32>
          %get3A_285 = arith.index_cast %add3A_264 : i32 to index
          %get3A_286 = arith.index_cast %mul3A_281 : i32 to index
          %get3A_287 = tpu.vector_load %arg7[%get3A_285, %get3A_286] {strides = array<i32>} : memref<50x128xi32, #tpu.memory_space<vmem>>, vector<1x16xi32>,
          %get3A_288 = vector.shape_cast %get3A_287 : vector<1x16xi32> to vector<16xi32>
          %mul3A_289 = arith.constant 10 : i32
          %mul3A_290 = vector.broadcast %mul3A_289 : i32 to vector<16xi32>
          %mul3A_291 = arith.muli %get3A_284, %mul3A_290 : vector<16xi32>
          %add3A_292 = arith.addi %mul3A_291, %get3A_288 : vector<16xi32>
          %swap3A = arith.index_cast %add3A_264 : i32 to index
          %swap3A_293 = arith.index_cast %mul3A_281 : i32 to index
          %swap3A_294 = tpu.vector_load %arg8[%swap3A, %swap3A_293] {strides = array<i32>} : memref<50x128xi32, #tpu.memory_space<vmem>>, vector<1x16xi32>,
          %swap3A_295 = vector.shape_cast %swap3A_294 : vector<1x16xi32> to vector<16xi32>
          %swap3A_296 = vector.shape_cast %add3A_292 : vector<16xi32> to vector<1x16xi32>
          tpu.vector_store %arg8[%swap3A, %swap3A_293], %swap3A_296 {strides = array<i32>} : memref<50x128xi32, #tpu.memory_space<vmem>>, vector<1x16xi32>,
        }
        %scan3A_270 = arith.constant 8 : i32
        %add3A_271 = arith.constant 2 : i32
        %add3A_272 = arith.addi %add3A_194, %add3A_271 : i32
        %dma_start3A_273 = arith.constant 0 : i32
        %dma_start3A_274 = tpu.memref_slice %arg8[%add3A_272, %dma_start3A_273] : memref<50x128xi32, #tpu.memory_space<vmem>> -> memref<1x128xi32, #tpu.memory_space<vmem>>
        %dma_start3A_275 = tpu.memref_squeeze %dma_start3A_274 : memref<1x128xi32, #tpu.memory_space<vmem>> -> memref<128xi32, #tpu.memory_space<vmem>>
        %dma_start3A_276 = arith.constant 0 : i32
        %dma_start3A_277 = arith.constant 0 : i32
        %dma_start3A_278 = tpu.memref_slice %arg24[%dma_start3A_276, %dma_start3A_277] : memref<1000x128xf32, #tpu.memory_space<vmem_shared>> -> memref<1000x128xf32, #tpu.memory_space<vmem_shared>>
        tpu.enqueue_indirect_dma source(%dma_start3A_278 : memref<1000x128xf32, #tpu.memory_space<vmem_shared>>) target(%arg9 : memref<128x128xf32, #tpu.memory_space<vmem>>) offsets(%dma_start3A_275 : memref<128xi32, #tpu.memory_space<vmem>>) semaphore(%arg14 : memref<!tpu.dma_semaphore, #tpu.memory_space<semaphore_mem>>)
      } else {
      }
      %dma_wait3A_214 = arith.constant 0 : i32
      %dma_wait3A_215 = arith.constant 0 : i32
      %dma_wait3A_216 = tpu.memref_slice %arg8[%dma_wait3A_214, %dma_wait3A_215] : memref<50x128xi32, #tpu.memory_space<vmem>> -> memref<1x128xi32, #tpu.memory_space<vmem>>
      %dma_wait3A_217 = tpu.memref_squeeze %dma_wait3A_216 : memref<1x128xi32, #tpu.memory_space<vmem>> -> memref<128xi32, #tpu.memory_space<vmem>>
      %dma_wait3A_218 = arith.constant 0 : i32
      %dma_wait3A_219 = arith.constant 0 : i32
      %dma_wait3A_220 = tpu.memref_slice %arg24[%dma_wait3A_218, %dma_wait3A_219] : memref<1000x128xf32, #tpu.memory_space<vmem_shared>> -> memref<1000x128xf32, #tpu.memory_space<vmem_shared>>
      tpu.wait_indirect_dma semaphore(%arg17 : memref<!tpu.dma_semaphore, #tpu.memory_space<semaphore_mem>>) src(%dma_wait3A_220 : memref<1000x128xf32, #tpu.memory_space<vmem_shared>>) dst(%arg12 : memref<128x128xf32, #tpu.memory_space<vmem>>)
      %dma_start3A_221 = arith.constant 0 : i32
      %dma_start3A_222 = tpu.memref_slice %arg5[%add3A_194, %mul3A_2, %dma_start3A_221] : memref<50x4096x128xf32, #tpu.memory_space<hbm>> -> memref<1x128x128xf32, #tpu.memory_space<hbm>>
      %dma_start3A_223 = tpu.memref_squeeze %dma_start3A_222 : memref<1x128x128xf32, #tpu.memory_space<hbm>> -> memref<128x128xf32, #tpu.memory_space<hbm>>
      %dma_start3A_224 = arith.constant 0 : i32
      %dma_start3A_225 = tpu.memref_slice %arg5[%add3A_194, %mul3A_2, %dma_start3A_224] : memref<50x4096x128xf32, #tpu.memory_space<hbm>> -> memref<1x128x128xf32, #tpu.memory_space<hbm>>
      %dma_start3A_226 = tpu.memref_squeeze %dma_start3A_225 : memref<1x128x128xf32, #tpu.memory_space<hbm>> -> memref<128x128xf32, #tpu.memory_space<hbm>>
      tpu.enqueue_dma source(%arg12 : memref<128x128xf32, #tpu.memory_space<vmem>>) target(%dma_start3A_226 : memref<128x128xf32, #tpu.memory_space<hbm>>) target_semaphore(%arg22 : memref<!tpu.dma_semaphore, #tpu.memory_space<semaphore_mem>>)
      %mul3A_227 = arith.constant 5 : i32
      %mul3A_228 = arith.muli %scan3A_85, %mul3A_227 : i32
      %add3A_229 = arith.constant 4 : i32
      %add3A_230 = arith.addi %mul3A_228, %add3A_229 : i32
      %add3A_231 = arith.constant 2 : i32
      %add3A_232 = arith.addi %add3A_230, %add3A_231 : i32
      %ge3A_233 = arith.constant 5 : i32
      %ge3A_234 = arith.cmpi sge, %add3A_232, %ge3A_233 : i32
      %add3A_235 = arith.constant 2 : i32
      %add3A_236 = arith.addi %add3A_230, %add3A_235 : i32
      %lt3A_237 = arith.constant 50 : i32
      %lt3A_238 = arith.cmpi slt, %add3A_236, %lt3A_237 : i32
      %and3A_239 = arith.andi %ge3A_234, %lt3A_238 : i1
      %convert_element_type3A_240 = arith.extui %and3A_239 : i1 to i32
      %cond3A_241 = arith.constant 0 : i32
      %cond3A_242 = arith.cmpi ne, %convert_element_type3A_240, %cond3A_241 : i32
      scf.if %cond3A_242 {
        %dma_wait3A_263 = arith.constant 0 : i32
        %dma_wait3A_264 = arith.constant 0 : i32
        %dma_wait3A_265 = tpu.memref_slice %arg5[%dma_wait3A_263, %mul3A_2, %dma_wait3A_264] : memref<50x4096x128xf32, #tpu.memory_space<hbm>> -> memref<1x128x128xf32, #tpu.memory_space<hbm>>
        %dma_wait3A_266 = tpu.memref_squeeze %dma_wait3A_265 : memref<1x128x128xf32, #tpu.memory_space<hbm>> -> memref<128x128xf32, #tpu.memory_space<hbm>>
        %dma_wait3A_267 = arith.constant 0 : i32
        %dma_wait3A_268 = tpu.memref_slice %arg5[%dma_wait3A_263, %mul3A_2, %dma_wait3A_267] : memref<50x4096x128xf32, #tpu.memory_space<hbm>> -> memref<1x128x128xf32, #tpu.memory_space<hbm>>
        %dma_wait3A_269 = tpu.memref_squeeze %dma_wait3A_268 : memref<1x128x128xf32, #tpu.memory_space<hbm>> -> memref<128x128xf32, #tpu.memory_space<hbm>>
        tpu.wait_dma2 semaphore(%arg20 : memref<!tpu.dma_semaphore, #tpu.memory_space<semaphore_mem>>) src(%arg10 : memref<128x128xf32, #tpu.memory_space<vmem>>) dst(%dma_wait3A_269 : memref<128x128xf32, #tpu.memory_space<hbm>>)
      } else {
      }
      %add3A_243 = arith.constant 2 : i32
      %add3A_244 = arith.addi %add3A_230, %add3A_243 : i32
      %lt3A_245 = arith.constant 50 : i32
      %lt3A_246 = arith.cmpi slt, %add3A_244, %lt3A_245 : i32
      %convert_element_type3A_247 = arith.extui %lt3A_246 : i1 to i32
      %cond3A_248 = arith.constant 0 : i32
      %cond3A_249 = arith.cmpi ne, %convert_element_type3A_247, %cond3A_248 : i32
      scf.if %cond3A_249 {
        %add3A_263 = arith.constant 2 : i32
        %add3A_264 = arith.addi %add3A_230, %add3A_263 : i32
        %scan3A_265 = arith.constant 0 : i32
        %scan3A_266 = arith.constant 0 : i32
        %scan3A_267 = arith.constant 8 : i32
        %scan3A_268 = arith.addi %scan3A_266, %scan3A_267 : i32
        %scan3A_269 = arith.constant 1 : i32
        scf.for %scan3A_279 = %scan3A_266 to %scan3A_268 step %scan3A_269  : i32 {
          %mul3A_280 = arith.constant 16 : i32
          %mul3A_281 = arith.muli %scan3A_279, %mul3A_280 : i32
          %get3A = arith.index_cast %add3A_264 : i32 to index
          %get3A_282 = arith.index_cast %mul3A_281 : i32 to index
          %get3A_283 = tpu.vector_load %arg6[%get3A, %get3A_282] {strides = array<i32>} : memref<50x128xi32, #tpu.memory_space<vmem>>, vector<1x16xi32>,
          %get3A_284 = vector.shape_cast %get3A_283 : vector<1x16xi32> to vector<16xi32>
          %get3A_285 = arith.index_cast %add3A_264 : i32 to index
          %get3A_286 = arith.index_cast %mul3A_281 : i32 to index
          %get3A_287 = tpu.vector_load %arg7[%get3A_285, %get3A_286] {strides = array<i32>} : memref<50x128xi32, #tpu.memory_space<vmem>>, vector<1x16xi32>,
          %get3A_288 = vector.shape_cast %get3A_287 : vector<1x16xi32> to vector<16xi32>
          %mul3A_289 = arith.constant 10 : i32
          %mul3A_290 = vector.broadcast %mul3A_289 : i32 to vector<16xi32>
          %mul3A_291 = arith.muli %get3A_284, %mul3A_290 : vector<16xi32>
          %add3A_292 = arith.addi %mul3A_291, %get3A_288 : vector<16xi32>
          %swap3A = arith.index_cast %add3A_264 : i32 to index
          %swap3A_293 = arith.index_cast %mul3A_281 : i32 to index
          %swap3A_294 = tpu.vector_load %arg8[%swap3A, %swap3A_293] {strides = array<i32>} : memref<50x128xi32, #tpu.memory_space<vmem>>, vector<1x16xi32>,
          %swap3A_295 = vector.shape_cast %swap3A_294 : vector<1x16xi32> to vector<16xi32>
          %swap3A_296 = vector.shape_cast %add3A_292 : vector<16xi32> to vector<1x16xi32>
          tpu.vector_store %arg8[%swap3A, %swap3A_293], %swap3A_296 {strides = array<i32>} : memref<50x128xi32, #tpu.memory_space<vmem>>, vector<1x16xi32>,
        }
        %scan3A_270 = arith.constant 8 : i32
        %add3A_271 = arith.constant 2 : i32
        %add3A_272 = arith.addi %add3A_230, %add3A_271 : i32
        %dma_start3A_273 = arith.constant 0 : i32
        %dma_start3A_274 = tpu.memref_slice %arg8[%add3A_272, %dma_start3A_273] : memref<50x128xi32, #tpu.memory_space<vmem>> -> memref<1x128xi32, #tpu.memory_space<vmem>>
        %dma_start3A_275 = tpu.memref_squeeze %dma_start3A_274 : memref<1x128xi32, #tpu.memory_space<vmem>> -> memref<128xi32, #tpu.memory_space<vmem>>
        %dma_start3A_276 = arith.constant 0 : i32
        %dma_start3A_277 = arith.constant 0 : i32
        %dma_start3A_278 = tpu.memref_slice %arg24[%dma_start3A_276, %dma_start3A_277] : memref<1000x128xf32, #tpu.memory_space<vmem_shared>> -> memref<1000x128xf32, #tpu.memory_space<vmem_shared>>
        tpu.enqueue_indirect_dma source(%dma_start3A_278 : memref<1000x128xf32, #tpu.memory_space<vmem_shared>>) target(%arg10 : memref<128x128xf32, #tpu.memory_space<vmem>>) offsets(%dma_start3A_275 : memref<128xi32, #tpu.memory_space<vmem>>) semaphore(%arg15 : memref<!tpu.dma_semaphore, #tpu.memory_space<semaphore_mem>>)
      } else {
      }
      %dma_wait3A_250 = arith.constant 0 : i32
      %dma_wait3A_251 = arith.constant 0 : i32
      %dma_wait3A_252 = tpu.memref_slice %arg8[%dma_wait3A_250, %dma_wait3A_251] : memref<50x128xi32, #tpu.memory_space<vmem>> -> memref<1x128xi32, #tpu.memory_space<vmem>>
      %dma_wait3A_253 = tpu.memref_squeeze %dma_wait3A_252 : memref<1x128xi32, #tpu.memory_space<vmem>> -> memref<128xi32, #tpu.memory_space<vmem>>
      %dma_wait3A_254 = arith.constant 0 : i32
      %dma_wait3A_255 = arith.constant 0 : i32
      %dma_wait3A_256 = tpu.memref_slice %arg24[%dma_wait3A_254, %dma_wait3A_255] : memref<1000x128xf32, #tpu.memory_space<vmem_shared>> -> memref<1000x128xf32, #tpu.memory_space<vmem_shared>>
      tpu.wait_indirect_dma semaphore(%arg18 : memref<!tpu.dma_semaphore, #tpu.memory_space<semaphore_mem>>) src(%dma_wait3A_256 : memref<1000x128xf32, #tpu.memory_space<vmem_shared>>) dst(%arg13 : memref<128x128xf32, #tpu.memory_space<vmem>>)
      %dma_start3A_257 = arith.constant 0 : i32
      %dma_start3A_258 = tpu.memref_slice %arg5[%add3A_230, %mul3A_2, %dma_start3A_257] : memref<50x4096x128xf32, #tpu.memory_space<hbm>> -> memref<1x128x128xf32, #tpu.memory_space<hbm>>
      %dma_start3A_259 = tpu.memref_squeeze %dma_start3A_258 : memref<1x128x128xf32, #tpu.memory_space<hbm>> -> memref<128x128xf32, #tpu.memory_space<hbm>>
      %dma_start3A_260 = arith.constant 0 : i32
      %dma_start3A_261 = tpu.memref_slice %arg5[%add3A_230, %mul3A_2, %dma_start3A_260] : memref<50x4096x128xf32, #tpu.memory_space<hbm>> -> memref<1x128x128xf32, #tpu.memory_space<hbm>>
      %dma_start3A_262 = tpu.memref_squeeze %dma_start3A_261 : memref<1x128x128xf32, #tpu.memory_space<hbm>> -> memref<128x128xf32, #tpu.memory_space<hbm>>
      tpu.enqueue_dma source(%arg13 : memref<128x128xf32, #tpu.memory_space<vmem>>) target(%dma_start3A_262 : memref<128x128xf32, #tpu.memory_space<hbm>>) target_semaphore(%arg23 : memref<!tpu.dma_semaphore, #tpu.memory_space<semaphore_mem>>)
    }
    %scan3A_49 = arith.constant 10 : i32
    %dma_wait3A_50 = arith.constant 0 : i32
    %dma_wait3A_51 = arith.constant 0 : i32
    %dma_wait3A_52 = tpu.memref_slice %arg5[%dma_wait3A_50, %mul3A_2, %dma_wait3A_51] : memref<50x4096x128xf32, #tpu.memory_space<hbm>> -> memref<1x128x128xf32, #tpu.memory_space<hbm>>
    %dma_wait3A_53 = tpu.memref_squeeze %dma_wait3A_52 : memref<1x128x128xf32, #tpu.memory_space<hbm>> -> memref<128x128xf32, #tpu.memory_space<hbm>>
    %dma_wait3A_54 = arith.constant 0 : i32
    %dma_wait3A_55 = tpu.memref_slice %arg5[%dma_wait3A_50, %mul3A_2, %dma_wait3A_54] : memref<50x4096x128xf32, #tpu.memory_space<hbm>> -> memref<1x128x128xf32, #tpu.memory_space<hbm>>
    %dma_wait3A_56 = tpu.memref_squeeze %dma_wait3A_55 : memref<1x128x128xf32, #tpu.memory_space<hbm>> -> memref<128x128xf32, #tpu.memory_space<hbm>>
    tpu.wait_dma2 semaphore(%arg19 : memref<!tpu.dma_semaphore, #tpu.memory_space<semaphore_mem>>) src(%arg9 : memref<128x128xf32, #tpu.memory_space<vmem>>) dst(%dma_wait3A_56 : memref<128x128xf32, #tpu.memory_space<hbm>>)
    %dma_wait3A_57 = arith.constant 0 : i32
    %dma_wait3A_58 = arith.constant 0 : i32
    %dma_wait3A_59 = tpu.memref_slice %arg5[%dma_wait3A_57, %mul3A_2, %dma_wait3A_58] : memref<50x4096x128xf32, #tpu.memory_space<hbm>> -> memref<1x128x128xf32, #tpu.memory_space<hbm>>
    %dma_wait3A_60 = tpu.memref_squeeze %dma_wait3A_59 : memref<1x128x128xf32, #tpu.memory_space<hbm>> -> memref<128x128xf32, #tpu.memory_space<hbm>>
    %dma_wait3A_61 = arith.constant 0 : i32
    %dma_wait3A_62 = tpu.memref_slice %arg5[%dma_wait3A_57, %mul3A_2, %dma_wait3A_61] : memref<50x4096x128xf32, #tpu.memory_space<hbm>> -> memref<1x128x128xf32, #tpu.memory_space<hbm>>
    %dma_wait3A_63 = tpu.memref_squeeze %dma_wait3A_62 : memref<1x128x128xf32, #tpu.memory_space<hbm>> -> memref<128x128xf32, #tpu.memory_space<hbm>>
    tpu.wait_dma2 semaphore(%arg20 : memref<!tpu.dma_semaphore, #tpu.memory_space<semaphore_mem>>) src(%arg10 : memref<128x128xf32, #tpu.memory_space<vmem>>) dst(%dma_wait3A_63 : memref<128x128xf32, #tpu.memory_space<hbm>>)
    %dma_wait3A_64 = arith.constant 0 : i32
    %dma_wait3A_65 = arith.constant 0 : i32
    %dma_wait3A_66 = tpu.memref_slice %arg5[%dma_wait3A_64, %mul3A_2, %dma_wait3A_65] : memref<50x4096x128xf32, #tpu.memory_space<hbm>> -> memref<1x128x128xf32, #tpu.memory_space<hbm>>
    %dma_wait3A_67 = tpu.memref_squeeze %dma_wait3A_66 : memref<1x128x128xf32, #tpu.memory_space<hbm>> -> memref<128x128xf32, #tpu.memory_space<hbm>>
    %dma_wait3A_68 = arith.constant 0 : i32
    %dma_wait3A_69 = tpu.memref_slice %arg5[%dma_wait3A_64, %mul3A_2, %dma_wait3A_68] : memref<50x4096x128xf32, #tpu.memory_space<hbm>> -> memref<1x128x128xf32, #tpu.memory_space<hbm>>
    %dma_wait3A_70 = tpu.memref_squeeze %dma_wait3A_69 : memref<1x128x128xf32, #tpu.memory_space<hbm>> -> memref<128x128xf32, #tpu.memory_space<hbm>>
    tpu.wait_dma2 semaphore(%arg21 : memref<!tpu.dma_semaphore, #tpu.memory_space<semaphore_mem>>) src(%arg11 : memref<128x128xf32, #tpu.memory_space<vmem>>) dst(%dma_wait3A_70 : memref<128x128xf32, #tpu.memory_space<hbm>>)
    %dma_wait3A_71 = arith.constant 0 : i32
    %dma_wait3A_72 = arith.constant 0 : i32
    %dma_wait3A_73 = tpu.memref_slice %arg5[%dma_wait3A_71, %mul3A_2, %dma_wait3A_72] : memref<50x4096x128xf32, #tpu.memory_space<hbm>> -> memref<1x128x128xf32, #tpu.memory_space<hbm>>
    %dma_wait3A_74 = tpu.memref_squeeze %dma_wait3A_73 : memref<1x128x128xf32, #tpu.memory_space<hbm>> -> memref<128x128xf32, #tpu.memory_space<hbm>>
    %dma_wait3A_75 = arith.constant 0 : i32
    %dma_wait3A_76 = tpu.memref_slice %arg5[%dma_wait3A_71, %mul3A_2, %dma_wait3A_75] : memref<50x4096x128xf32, #tpu.memory_space<hbm>> -> memref<1x128x128xf32, #tpu.memory_space<hbm>>
    %dma_wait3A_77 = tpu.memref_squeeze %dma_wait3A_76 : memref<1x128x128xf32, #tpu.memory_space<hbm>> -> memref<128x128xf32, #tpu.memory_space<hbm>>
    tpu.wait_dma2 semaphore(%arg22 : memref<!tpu.dma_semaphore, #tpu.memory_space<semaphore_mem>>) src(%arg12 : memref<128x128xf32, #tpu.memory_space<vmem>>) dst(%dma_wait3A_77 : memref<128x128xf32, #tpu.memory_space<hbm>>)
    %dma_wait3A_78 = arith.constant 0 : i32
    %dma_wait3A_79 = arith.constant 0 : i32
    %dma_wait3A_80 = tpu.memref_slice %arg5[%dma_wait3A_78, %mul3A_2, %dma_wait3A_79] : memref<50x4096x128xf32, #tpu.memory_space<hbm>> -> memref<1x128x128xf32, #tpu.memory_space<hbm>>
    %dma_wait3A_81 = tpu.memref_squeeze %dma_wait3A_80 : memref<1x128x128xf32, #tpu.memory_space<hbm>> -> memref<128x128xf32, #tpu.memory_space<hbm>>
    %dma_wait3A_82 = arith.constant 0 : i32
    %dma_wait3A_83 = tpu.memref_slice %arg5[%dma_wait3A_78, %mul3A_2, %dma_wait3A_82] : memref<50x4096x128xf32, #tpu.memory_space<hbm>> -> memref<1x128x128xf32, #tpu.memory_space<hbm>>
    %dma_wait3A_84 = tpu.memref_squeeze %dma_wait3A_83 : memref<1x128x128xf32, #tpu.memory_space<hbm>> -> memref<128x128xf32, #tpu.memory_space<hbm>>
    tpu.wait_dma2 semaphore(%arg23 : memref<!tpu.dma_semaphore, #tpu.memory_space<semaphore_mem>>) src(%arg13 : memref<128x128xf32, #tpu.memory_space<vmem>>) dst(%dma_wait3A_84 : memref<128x128xf32, #tpu.memory_space<hbm>>)
    return
  }
}

</mosaic_0001>

<sc_bundles>
// kernel: kernel.3.cloned.1.call-start
scs
__scs_entry_jumppad:
0x0: {  	(pc) =	sbr.rel $0x88, $3  }
0x1: {  	(tag) =	ssettag $0x0;
	lr =	simm.s32 $0x1  }
0x2: {  	[smem:$0x3F9E] =	sst lr;
	_ =	strace $0xD0000000  }
0x3: {  	_ = 	snop  }
0x4: {  	_ = 	snop  }
0x5: {  	_ = 	snop  }
0x6: {  	_ = 	snop  }
0x7: {  	_ = 	snop  }
__scs_overlays_trampoline_lowered:
0x8: {  	[smem:$0x3FAD] =	sst s0  }
0x9: {  	[smem:$0x3FAE] =	sst s1  }
0xa: {  	[smem:$0x3FAF] =	sst s2  }
0xb: {  	[smem:$0x3FB0] =	sst s3  }
0xc: {  	[smem:$0x3FB1] =	sst s4  }
0xd: {  	[smem:$0x3FB2] =	sst s5  }
0xe: {  	[smem:$0x3FB3] =	sst s6  }
0xf: {  	[smem:$0x3FB4] =	sst s7  }
0x10: {  	[smem:$0x3FB5] =	sst s8  }
0x11: {  	[smem:$0x3FB6] =	sst s9;
	s0 =	simm.s32 @!p0 $0x0  }
0x12: {  	s1 =	sld [smem:$0x3F9C];
	s0 =	simm.s32 @p0 $0x1  }
0x13: {  	[smem:$0x3FB7] =	sst s0;
	s0 =	simm.s32 @!p1 $0x0  }
0x14: {  	s2 =	sld [smem:$0x3F9B];
	s0 =	simm.s32 @p1 $0x1  }
0x15: {  	[smem:$0x3FB8] =	sst s0;
	s0 =	simm.s32 @!p2 $0x0  }
0x16: {  	s3 =	sld [smem:$0x3FDB];
	s0 =	simm.s32 @p2 $0x1  }
0x17: {  	s4 =	simm.s32 $0x1BF5;
	[smem:$0x3FBA] =	sst s0  }
0x18: {  	s0 =	sld [smem:$0x3F9D];
	_ =	swait.ge [sflag:s4], $0x0  }
0x19: {  	s7 =	sld [smem:$0x3F9E]  }
0x1a: {  	s8 =	sadd.s32 $0xFFFFE003, lr  }
0x1b: {  	s9 =	sadd.s32 $0xFFFFFEF7, lr;
	s5 =	simm.s32 $0xFFFFFFFF;
	p2 =	slt.u32 s8, $0xFFFFF086  }
0x1c: {  	p1 =	slt.u32 s9, $0xF7A;
	s5 =	simm.s32 @!p2 $0x0  }
0x1d: {  	s5 =	simm.s32 @p1 $0x1;
	p0 =	seq.s32 s7, s2  }
0x1e: {  	s7 =	smul.u32 @!p0 $0xF7A, s2;
	p2 =	seq.s32 @!p0 s5, $0x0  }
0x1f: {  	s9 =	smul.u32 $0xF7A, s1;
	s8 =	simm.s32 @!p0 $0x1BF5;
	p2 =	por !p2, p0  }
0x20: {  	[sflag:s8] =	ssyncset.s32 @!p0 $0xFFFFF086;
	s6 =	sadd.s32 @!p0 s3, s7;
	s7 =	simm.s32 @!p0 $0x108  }
0x21: {  	s3 =	sadd.s32 s3, s9;
	s6 =	sadd.s32 @!p0 $0x88, s6;
	s7 =	simm.s32 @p2 $0x1082  }
0x22: {  	[simem:s7], [sflag:s8] =	dma.local @!p0 [hbm:s6], $0xF7A  }
0x23: {  	s9 =	sor.u32 $0xD0000000, s2;
	s6 =	simm.s32 $0x108;
	_ =	swait.ge @!p0 [sflag:s8], $0x0  }
0x24: {  	s3 =	sadd.s32 $0x88, s3;
	s6 =	simm.s32 @!p1 $0x1082;
	[sflag:s4] =	ssyncset.s32 $0xFFFFF086  }
0x25: {  	[simem:s6], [sflag:s4] =	dma.local [hbm:s3], $0xF7A  }
0x26: {  	[smem:$0x3F9E] =	sst s1;
	(tag) =	ssettag s2;
	_ =	strace s9  }
0x27: {  	s1 =	sld [smem:$0x3FAE]  }
0x28: {  	s2 =	sld [smem:$0x3FAF]  }
0x29: {  	s4 =	sld [smem:$0x3FB1]  }
0x2a: {  	p0 =	seq.s32 s5, $0x0;
	s5 =	sld [smem:$0x3FB2]  }
0x2b: {  	s6 =	sld [smem:$0x3FB3]  }
0x2c: {  	s7 =	sld [smem:$0x3FB4]  }
0x2d: {  	s3 =	simm.s32 $0x108;
	s8 =	sld [smem:$0x3FB5]  }
0x2e: {  	s3 =	simm.s32 @!p0 $0x1082;
	s9 =	sld [smem:$0x3FB6]  }
0x2f: {  	lr =	sadd.s32 s0, s3;
	s0 =	sld [smem:$0x3FAD]  }
0x30: {  	s3 =	sld [smem:$0x3FB0]  }
0x31: {  	[smem:$0x3FB9] =	sst s10  }
0x32: {  	s10 =	sld [smem:$0x3FB7];
	_ =	sdelay $0x3  }
0x33: {  	p0 =	seq.s32 s10, $0x1;
	s10 =	sld [smem:$0x3FB9];
	_ =	sdelay $0x3  }
0x34: {  	[smem:$0x3FB9] =	sst s10  }
0x35: {  	s10 =	sld [smem:$0x3FB8];
	_ =	sdelay $0x3  }
0x36: {  	p1 =	seq.s32 s10, $0x1;
	s10 =	sld [smem:$0x3FB9];
	_ =	sdelay $0x3  }
0x37: {  	[smem:$0x3FB9] =	sst s10  }
0x38: {  	s10 =	sld [smem:$0x3FBA]  }
0x39: {  	_ = 	snop;
	(pc) =	sbr.ind lr, $3  }
0x3a: {  	_ = 	snop  }
0x3b: {  	_ = 	snop  }
0x3c: {  	p2 =	seq.s32 s10, $0x1;
	s10 =	sld [smem:$0x3FB9]  }
0x3d: {  	_ =	shalt  }
0x3e: {  	_ =	shalt  }
0x3f: {  	_ =	shalt  }
0x40: {  	_ =	shalt  }
0x41: {  	_ =	shalt  }
0x42: {  	_ =	shalt  }
0x43: {  	_ =	shalt  }
0x44: {  	_ =	shalt  }
0x45: {  	_ =	shalt  }
0x46: {  	_ =	shalt  }
0x47: {  	_ =	shalt  }
0x48: {  	_ =	shalt  }
0x49: {  	_ =	shalt  }
0x4a: {  	_ =	shalt  }
0x4b: {  	_ =	shalt  }
0x4c: {  	_ =	shalt  }
0x4d: {  	_ =	shalt  }
0x4e: {  	_ =	shalt  }
0x4f: {  	_ =	shalt  }
0x50: {  	_ =	shalt  }
0x51: {  	_ =	shalt  }
0x52: {  	_ =	shalt  }
0x53: {  	_ =	shalt  }
0x54: {  	_ =	shalt  }
0x55: {  	_ =	shalt  }
0x56: {  	_ =	shalt  }
0x57: {  	_ =	shalt  }
0x58: {  	_ =	shalt  }
0x59: {  	_ =	shalt  }
0x5a: {  	_ =	shalt  }
0x5b: {  	_ =	shalt  }
0x5c: {  	_ =	shalt  }
0x5d: {  	_ =	shalt  }
0x5e: {  	_ =	shalt  }
0x5f: {  	_ =	shalt  }
0x60: {  	_ =	shalt  }
0x61: {  	_ =	shalt  }
0x62: {  	_ =	shalt  }
0x63: {  	_ =	shalt  }
0x64: {  	_ =	shalt  }
0x65: {  	_ =	shalt  }
0x66: {  	_ =	shalt  }
0x67: {  	_ =	shalt  }
0x68: {  	_ =	shalt  }
0x69: {  	_ =	shalt  }
0x6a: {  	_ =	shalt  }
0x6b: {  	_ =	shalt  }
0x6c: {  	_ =	shalt  }
0x6d: {  	_ =	shalt  }
0x6e: {  	_ =	shalt  }
0x6f: {  	_ =	shalt  }
0x70: {  	_ =	shalt  }
0x71: {  	_ =	shalt  }
0x72: {  	_ =	shalt  }
0x73: {  	_ =	shalt  }
0x74: {  	_ =	shalt  }
0x75: {  	_ =	shalt  }
0x76: {  	_ =	shalt  }
0x77: {  	_ =	shalt  }
0x78: {  	_ =	shalt  }
0x79: {  	_ =	shalt  }
0x7a: {  	_ =	shalt  }
0x7b: {  	_ =	shalt  }
0x7c: {  	_ =	shalt  }
0x7d: {  	_ =	shalt  }
0x7e: {  	_ =	shalt  }
0x7f: {  	_ =	shalt  }
0x80: {  	_ =	shalt  }
0x81: {  	_ =	shalt  }
0x82: {  	_ =	shalt  }
0x83: {  	_ =	shalt  }
0x84: {  	_ =	shalt  }
0x85: {  	_ =	shalt  }
0x86: {  	_ =	shalt  }
0x87: {  	_ =	shalt  }
.Lfunc_end0:
.L_simem_size_0:
called_computation_lowered:
.L_overlay_start_0:
0x88: {  	s2 =	sld [smem:$0x3FD9]  }
0x89: {  	s3 =	sld [smem:$0x3FFE];
	_ =	sdelay $0x1  }
0x8a: {  	s1 =	srdreg.scid  }
0x8b: {  	s0 =	sand.u32 $0x1, s1  }
0x8c: {  	s18 =	sshll.u32 s0, $0xA;
	s2 =	sadd.s32 s3, s2  }
0x8d: {  	s2 =	sadd.s32 s2, s18  }
0x8e: {  	[smem:$0x3FC5] =	sst s2  }
0x8f: {  	_ = 	snop  }
0x90: {  	s2 =	sld [smem:$0x3FC9]  }
0x91: {  	s19 =	sld [smem:$0x3FC8]  }
0x92: {  	s4 =	sld [smem:$0x3FC7]  }
0x93: {  	s5 =	sld [smem:$0x3FD0];
	(tm) =	ssettm $0x1  }
0x94: {  	s6 =	sld [smem:$0x3FFB];
	_ =	sdelay $0x3  }
0x95: {  	_ =	strace s6  }
0x96: {  	s6 =	sld [smem:$0x3FFC];
	_ =	sdelay $0x3  }
0x97: {  	_ =	strace s6  }
0x98: {  	s6 =	sld [smem:$0x3FFD];
	_ =	sdelay $0x3  }
0x99: {  	_ =	strace s6  }
0x9a: {  	_ =	strace $0x8FFFFFFF  }
0x9b: {  	s20 =	sld [smem:$0x3FDB];
	_ =	sdelay $0x1  }
0x9c: {  	s7 =	simm.s32 $_scs_section_size  }
0x9d: {  	s8 =	simm.s32 $_size__tile_overlayer_lowered;
	s9 =	simm.s32 $_tile_overlayer_lowered  }
0x9e: {  	s23 =	simm.s32 $0x1BFF;
	s22 =	sshll.u32 s9, $0x1;
	s6 =	sadd.s32 s7, s20  }
0x9f: {  	s10 =	simm.s32 $0x0;
	s21 =	sshll.u32 s8, $0x1;
	s8 =	sadd.s32 s22, s6  }
0xa0: {  	[timem:s10], [sflag:s23] =	dma.local [hbm:s8], s21  }
0xa1: {  	_ =	swait.ge [sflag:s23], s21  }
0xa2: {  	s7 =	ssub.s32 $0x0, s21;
	[sflag:s23] =	ssyncset.done $0x0  }
0xa3: {  	[sflag:s23] =	ssyncadd.s32 s7;
	_ =	sdelay $0x1  }
0xa4: {  	s24 =	simm.s32 $0x1B8B  }
0xa5: {  	_ =	swait.ge [sflag:s24], $0x1  }
0xa6: {  	[sflag:s24] =	ssyncset.done $0x0  }
0xa7: {  	s25 =	simm.s32 $0x1B8E;
	[sflag:s24] =	ssyncadd.s32 $0xFFFFFFFF  }
0xa8: {  	s26 =	simm.s32 $execute0_lowered;
	[smem:$0x3FD2] =	sst s25  }
0xa9: {  	s7 =	sshll.u32 s26, $0x1;
	_ =	strace $0x80000046;
	[dreg:$0x1] =	wrdreg $0xFFFFFFFF  }
0xaa: {  	s28 =	simm.s32 $_size_execute0_lowered;
	s6 =	sadd.s32 s6, s7;
	[dreg:$0x0] =	wrdreg $0x0  }
0xab: {  	s7 =	sshll.u32 s28, $0x1;
	[dreg:$0x2] =	wrdreg s6  }
0xac: {  	[dreg:$0x3] =	wrdreg s7  }
0xad: {  	[dreg:$0x4] =	wrdreg $0xC0  }
0xae: {  	_ =	task [dreg:s10], $0x5FFFF  }
0xaf: {  	[dreg:$0x1] =	wrdreg $0xFFFFFFFF  }
0xb0: {  	[dreg:$0x0] =	wrdreg $0x60  }
0xb1: {  	[dreg:$0x2] =	wrdreg s2  }
0xb2: {  	[dreg:$0x3] =	wrdreg s19  }
0xb3: {  	[dreg:$0x4] =	wrdreg s4  }
0xb4: {  	[dreg:$0x5] =	wrdreg s5  }
0xb5: {  	[dreg:$0x6] =	wrdreg $0x194000  }
0xb6: {  	[dreg:$0x7] =	wrdreg $0x9  }
0xb7: {  	_ =	task.clear_ibuf [dreg:s10], $0x8FFFF;
	_ =	strace $0x90000046  }
0xb8: {  	s29 =	simm.s32 $0x9;
	_ =	strace $0x80000048  }
0xb9: {  	_ =	swait.ge [sflag:s29], $0x1  }
0xba: {  	[sflag:s29] =	ssyncadd.s32 $0xFFFFFFFF  }
0xbb: {  	_ =	strace $0x90000048  }
0xbc: {  	_ =	sfence  }
0xbd: {  	s30 =	sld [smem:$0x0];
	_ =	sdelay $0x2  }
0xbe: {  	s31 =	sshll.u32 s1, $0xD;
	s1 =	sshrl.u32 s1, $0x2  }
0xbf: {  	s3 =	sand.u32 $0x4000, s31;
	s1 =	sadd.s32 s1, s30  }
0xc0: {  	s0 =	sor.u32 s3, s0;
	s1 =	sshll.u32 s1, $0x11  }
0xc1: {  	s0 =	sor.u32 s1, s0  }
0xc2: {  	s0 =	sadd.s32 $0x8F2B, s0  }
0xc3: {  	[sflag:s0] =	ssyncadd.remote.s32 $0x1  }
0xc4: {  	_ =	sfence.sel $0xFFFF  }
0xc5: {  	[dreg:$0x0] =	wrdreg $0xFFFFFFFF;
	(pc) =	sbr.abs _section_cstart, $3  }
0xc6: {  	[dreg:$0x1] =	wrdreg $0xFFFFFFFF  }
0xc7: {  	_ =	task.clear_ibuf [dreg:s10], $0x2FFFF;
	_ =	strace $0x9FFFFFFF  }
0xc8: {  	(tm) =	ssettm $0x7FFFFFFF  }
0xc9: {  	_ =	shalt  }
tec
execute0_lowered:
.L_overlay_start_1:
0x0: {  	(tag) =	ssettag $0x1  }
0x1: {  	s0 =	rddreg [dreg:$0x0]  }
0x2: {  	s1 =	rddreg [dreg:$0x1]  }
0x3: {  	s3 =	rddreg [dreg:$0x4];
	s4 =	simm.s32 $0x0  }
0x4: {  	s2 =	srdreg.scid;
	s6 =	stileid.u32;
	s28 =	simm.s32 $0x15400  }
0x5: {  	s29 =	simm.s32 $0x3;
	s30 =	simm.s32 $0x4;
	s31 =	simm.s32 $0x5  }
0x6: {  	s12 =	simm.s32 $0x9;
	s13 =	simm.s32 $0xA;
	s14 =	simm.s32 $0x0  }
0x7: {  	[smem:$0x7FF] =	sst s4;
	s2 =	sand.u32 $0x1, s2;
	s7 =	sshll.u32 s6, $0x8  }
0x8: {  	s9 =	sshll.u32 s6, $0xF;
	p0 =	sne.s32 s6, $0x0;
	_ =	strace $0x80000047  }
0x9: {  	s5 =	ssub.s32 $0x2, s2;
	s8 =	sshll.u32 s2, $0x7;
	s2 =	sshll.u32 s2, $0xE  }
0xa: {  	s15 =	sshrl.u32 @!p0 s3, $0x3;
	s10 =	sshrl.u32 s5, $0x1;
	s7 =	sor.u32 s8, s7  }
0xb: {  	s2 =	sor.u32 s2, s9;
	s16 =	ssub.s32 s5, s10;
	s17 =	sadd.s32 s0, s7  }
0xc: {  	s18 =	sor.u32 $0x80000, s2;
	s7 =	sadd.s32 s1, s7;
	s19 =	sshrl.u32 s2, $0x3  }
0xd: {  	s20 =	sor.u32 $0x100000, s2;
	s22 =	sor.u32 $0x180000, s2;
	s24 =	sor.u32 $0x200000, s2  }
0xe: {  	s1 =	simm.s32 $0x7;
	s2 =	simm.s32 $0x8;
	[dreg:$0xb] =	wrdreg s17  }
0xf: {  	s5 =	sadd.s32 $0x6000, s17;
	s0 =	sshrl.u32 s18, $0x3;
	[dreg:$0x7] =	wrdreg s19  }
0x10: {  	s21 =	sshrl.u32 s20, $0x3;
	s23 =	sshrl.u32 s22, $0x3;
	[dreg:$0xc] =	wrdreg s5  }
0x11: {  	s25 =	sadd.s32 $0x6000, s7;
	s26 =	sshrl.u32 s24, $0x3;
	[dreg:$0x6] =	wrdreg s0  }
0x12: {  	s9 =	smax.u32 s16, $0x1;
	s16 =	simm.s32 $0xB;
	[dreg:$0x8] =	wrdreg s21  }
0x13: {  	s17 =	simm.s32 $0xC;
	s18 =	simm.s32 $0x80;
	[dreg:$0xd] =	wrdreg s25  }
0x14: {  	s20 =	simm.s32 $0x5400;
	s22 =	simm.s32 $0x9400;
	[dreg:$0x9] =	wrdreg s23  }
0x15: {  	s24 =	simm.s32 $0x1;
	[dreg:$0xa] =	wrdreg s26;
	s23 =	simm.s32 $0xD400  }
0x16: {  	s25 =	simm.s32 $0x11400;
	s26 =	simm.s32 $0x2;
	s0 =	simm.s32 $0x6  }
.LBB2_1:
0x17: {  	s5 =	rddreg [dreg:$0xb];
	s6 =	simm.s32 $0x400;
	s8 =	simm.s32 $0x8000  }
0x18: {  	[tilespmem:s4], [sflag:$0xB] =	stream.strided.gather [hbm4b:s5+s6], $0x1800, s8, s6, $0x38;
	[tilespmem:$0x1B340] =	vst v63  }
0x19: {  	s19 =	rddreg [dreg:$0xc];
	s10 =	simm.s32 $0x1800  }
0x1a: {  	[tilespmem:s10], [sflag:$0xB] =	stream.linear.gather [hbm4b:s19+s4], $0x100, $0x38;
	[tilespmem:$0x1B340] =	vst v63  }
0x1b: {  	s21 =	simm.s32 $0x1C00;
	s5 =	rddreg [dreg:$0x2]  }
0x1c: {  	[tilespmem:s21], [sflag:$0xC] =	stream.strided.gather [hbm4b:s7+s6], $0x1800, s8, s6, $0x38;
	[tilespmem:$0x1B340] =	vst v63  }
0x1d: {  	s11 =	simm.s32 $0x3400;
	s10 =	rddreg [dreg:$0xd];
	s6 =	simm.s32 @!p0 $0x1C0D  }
0x1e: {  	[tilespmem:s11], [sflag:$0xC] =	stream.linear.gather [hbm4b:s10+s4], $0x100, $0x38;
	[tilespmem:$0x1B340] =	vst v63  }
0x1f: {  	[spmem:s15], [sflag:s6] =	dma.local @!p0 [hbm:s5], $0x3E80  }
0x20: {  	s6 =	simm.s32 @!p0 $0xD  }
0x21: {  	_ =	swait.ge @!p0 [sflag:s6], $0x3E80  }
0x22: {  	[sflag:s6] =	ssyncset.done @!p0 $0x0  }
0x23: {  	[sflag:s6] =	ssyncadd.s32 @!p0 $0xFFFFC180  }
0x24: {  	[bflag:$0x0] =	sbarrier.arrive $0xFFFF  }
0x25: {  	_ =	swait.ge [sflag:s16], $0x1900  }
0x26: {  	[sflag:s16] =	ssyncset.done $0x0  }
0x27: {  	[sflag:s16] =	ssyncadd.s32 $0xFFFFE700  }
0x28: {  	_ =	swait.ge [sflag:s17], $0x1900  }
0x29: {  	[sflag:s17] =	ssyncset.done $0x0  }
0x2a: {  	[sflag:s17] =	ssyncadd.s32 $0xFFFFE700  }
0x2b: {  	v0 =	vld [tilespmem:$0x0]  }
0x2c: {  	v1 =	vld [tilespmem:$0x1C00]  }
0x2d: {  	v2 =	vld [tilespmem:$0x10]  }
0x2e: {  	v3 =	vld [tilespmem:$0x1C10]  }
0x2f: {  	v4 =	vld [tilespmem:$0x20]  }
0x30: {  	v5 =	vld [tilespmem:$0x1C20]  }
0x31: {  	v6 =	vld [tilespmem:$0x30]  }
0x32: {  	v7 =	vld [tilespmem:$0x1C30]  }
0x33: {  	v8 =	vld [tilespmem:$0x40]  }
0x34: {  	v9 =	vld [tilespmem:$0x1C40]  }
0x35: {  	v10 =	vld [tilespmem:$0x50]  }
0x36: {  	v11 =	vld [tilespmem:$0x1C50];
	v0 =	vmul.u32 $0xA, v0  }
0x37: {  	v12 =	vld [tilespmem:$0x60];
	v2 =	vmul.u32 $0xA, v2  }
0x38: {  	v20 =	vld [tilespmem:$0x70];
	v19 =	vmul.u32 $0xA, v4;
	v0 =	vadd.s32 v1, v0  }
0x39: {  	v23 =	vld [tilespmem:$0x1C60];
	v22 =	vmul.u32 $0xA, v6;
	v21 =	vadd.s32 v3, v2;
	[tilespmem:$0x3800] =	vst v0  }
0x3a: {  	v26 =	vld [tilespmem:$0x1C70];
	v25 =	vmul.u32 $0xA, v8;
	v24 =	vadd.s32 v5, v19;
	[tilespmem:$0x3810] =	vst v21  }
0x3b: {  	v28 =	vmul.u32 $0xA, v10;
	v27 =	vadd.s32 v7, v22;
	[tilespmem:$0x3820] =	vst v24  }
0x3c: {  	v30 =	vmul.u32 $0xA, v12;
	v29 =	vadd.s32 v9, v25;
	[tilespmem:$0x3830] =	vst v27  }
0x3d: {  	v32 =	vmul.u32 $0xA, v20;
	v31 =	vadd.s32 v11, v28;
	[tilespmem:$0x3840] =	vst v29  }
0x3e: {  	v33 =	vadd.s32 v23, v30;
	[tilespmem:$0x3850] =	vst v31  }
0x3f: {  	v34 =	vadd.s32 v26, v32;
	[tilespmem:$0x3860] =	vst v33  }
0x40: {  	s19 =	simm.s32 $0x3800;
	[tilespmem:$0x3870] =	vst v34  }
0x41: {  	[tilespmem:s20], [sflag:$0x1] =	stream.indirect.gather [spmem:s3], $0x80, s19, s18, $0xb8;
	[tilespmem:$0x1B340] =	vst v63  }
0x42: {  	v35 =	vld [tilespmem:$0x80]  }
0x43: {  	v36 =	vld [tilespmem:$0x1C80]  }
0x44: {  	v37 =	vld [tilespmem:$0x90]  }
0x45: {  	v38 =	vld [tilespmem:$0x1C90]  }
0x46: {  	v39 =	vld [tilespmem:$0xA0]  }
0x47: {  	v40 =	vld [tilespmem:$0x1CA0]  }
0x48: {  	v41 =	vld [tilespmem:$0xB0]  }
0x49: {  	v42 =	vld [tilespmem:$0x1CB0]  }
0x4a: {  	v43 =	vld [tilespmem:$0xC0]  }
0x4b: {  	v44 =	vld [tilespmem:$0x1CC0]  }
0x4c: {  	v45 =	vld [tilespmem:$0xD0]  }
0x4d: {  	v46 =	vld [tilespmem:$0x1CD0];
	v0 =	vmul.u32 $0xA, v35  }
0x4e: {  	v47 =	vld [tilespmem:$0xE0];
	v2 =	vmul.u32 $0xA, v37  }
0x4f: {  	v49 =	vld [tilespmem:$0xF0];
	v48 =	vmul.u32 $0xA, v39;
	v0 =	vadd.s32 v36, v0  }
0x50: {  	v52 =	vld [tilespmem:$0x1CE0];
	v51 =	vmul.u32 $0xA, v41;
	v50 =	vadd.s32 v38, v2;
	[tilespmem:$0x3880] =	vst v0  }
0x51: {  	v55 =	vld [tilespmem:$0x1CF0];
	v54 =	vmul.u32 $0xA, v43;
	v53 =	vadd.s32 v40, v48;
	[tilespmem:$0x3890] =	vst v50  }
0x52: {  	v57 =	vmul.u32 $0xA, v45;
	v56 =	vadd.s32 v42, v51;
	[tilespmem:$0x38A0] =	vst v53  }
0x53: {  	v59 =	vmul.u32 $0xA, v47;
	v58 =	vadd.s32 v44, v54;
	[tilespmem:$0x38B0] =	vst v56  }
0x54: {  	v61 =	vmul.u32 $0xA, v49;
	v60 =	vadd.s32 v46, v57;
	[tilespmem:$0x38C0] =	vst v58  }
0x55: {  	v62 =	vadd.s32 v52, v59;
	[tilespmem:$0x38D0] =	vst v60  }
0x56: {  	v63 =	vadd.s32 v55, v61;
	[tilespmem:$0x38E0] =	vst v62  }
0x57: {  	s21 =	simm.s32 $0x3880;
	[tilespmem:$0x38F0] =	vst v63  }
0x58: {  	[tilespmem:s22], [sflag:$0x2] =	stream.indirect.gather [spmem:s3], $0x80, s21, s18, $0xb8;
	[tilespmem:$0x1B340] =	vst v63  }
0x59: {  	s6 =	simm.s32 $0x0;
	s19 =	simm.s32 $0xFFFFFFFD;
	s21 =	rddreg [dreg:$0x3]  }
.LBB2_2:
0x5a: {  	p1 =	sgt.u32 s19, $0x2C  }
0x5b: {  	s10 =	simm.s32 @!p1 $0x8  }
0x5c: {  	_ =	swait.ge @!p1 [sflag:s10], $0x4000  }
0x5d: {  	[sflag:s10] =	ssyncset.done @!p1 $0x0  }
0x5e: {  	[sflag:s10] =	ssyncadd.s32 @!p1 $0xFFFFC000;
	s10 =	sshra.s32 s6, $0x2  }
0x5f: {  	v0 =	vld [tilespmem:s10+$0x100]  }
0x60: {  	v1 =	vld [tilespmem:s10+$0x1D00]  }
0x61: {  	v2 =	vld [tilespmem:s10+$0x110]  }
0x62: {  	v3 =	vld [tilespmem:s10+$0x1D10]  }
0x63: {  	v4 =	vld [tilespmem:s10+$0x120]  }
0x64: {  	v5 =	vld [tilespmem:s10+$0x1D20]  }
0x65: {  	v6 =	vld [tilespmem:s10+$0x130]  }
0x66: {  	v7 =	vld [tilespmem:s10+$0x1D30]  }
0x67: {  	v8 =	vld [tilespmem:s10+$0x140]  }
0x68: {  	v9 =	vld [tilespmem:s10+$0x1D40]  }
0x69: {  	v10 =	vld [tilespmem:s10+$0x150]  }
0x6a: {  	v11 =	vld [tilespmem:s10+$0x1D50];
	v0 =	vmul.u32 $0xA, v0  }
0x6b: {  	v12 =	vld [tilespmem:s10+$0x160];
	v2 =	vmul.u32 $0xA, v2  }
0x6c: {  	v39 =	vld [tilespmem:s10+$0x170];
	v38 =	vmul.u32 $0xA, v4;
	v0 =	vadd.s32 v1, v0  }
0x6d: {  	v42 =	vld [tilespmem:s10+$0x1D60];
	v41 =	vmul.u32 $0xA, v6;
	v40 =	vadd.s32 v3, v2;
	[tilespmem:s10+$0x3900] =	vst v0  }
0x6e: {  	v45 =	vld [tilespmem:s10+$0x1D70];
	v44 =	vmul.u32 $0xA, v8;
	v43 =	vadd.s32 v5, v38;
	[tilespmem:s10+$0x3910] =	vst v40  }
0x6f: {  	v47 =	vmul.u32 $0xA, v10;
	v46 =	vadd.s32 v7, v41;
	[tilespmem:s10+$0x3920] =	vst v43  }
0x70: {  	v49 =	vmul.u32 $0xA, v12;
	v48 =	vadd.s32 v9, v44;
	[tilespmem:s10+$0x3930] =	vst v46  }
0x71: {  	v51 =	vmul.u32 $0xA, v39;
	v50 =	vadd.s32 v11, v47;
	[tilespmem:s10+$0x3940] =	vst v48  }
0x72: {  	v52 =	vadd.s32 v42, v49;
	[tilespmem:s10+$0x3950] =	vst v50  }
0x73: {  	v53 =	vadd.s32 v45, v51;
	[tilespmem:s10+$0x3960] =	vst v52  }
0x74: {  	s5 =	sadd.s32 $0x3900, s10;
	[tilespmem:s10+$0x3970] =	vst v53  }
0x75: {  	[tilespmem:s23], [sflag:$0x3] =	stream.indirect.gather [spmem:s3], $0x80, s5, s18, $0xb8;
	[tilespmem:$0x1B340] =	vst v63  }
0x76: {  	_ =	swait.ge [sflag:s24], $0x4000  }
0x77: {  	s8 =	sadd.s32 $0x1, s19;
	s11 =	rddreg [dreg:$0x7];
	[sflag:s24] =	ssyncset.done $0x0  }
0x78: {  	p1 =	sgt.u32 s8, $0x2C;
	[sflag:s24] =	ssyncadd.s32 $0xFFFFC000;
	s5 =	sadd.s32 s21, s11  }
0x79: {  	[hbm4b:s5+s4] =	stream.linear.scatter [tilespmem:s20], [sflag:$0x6], $0x4000, $0x38;
	[tilespmem:$0x1B340] =	vst v63  }
0x7a: {  	s5 =	simm.s32 @!p1 $0x9  }
0x7b: {  	_ =	swait.ge @!p1 [sflag:s5], $0x4000  }
0x7c: {  	[sflag:s5] =	ssyncset.done @!p1 $0x0  }
0x7d: {  	[sflag:s5] =	ssyncadd.s32 @!p1 $0xFFFFC000  }
0x7e: {  	v54 =	vld [tilespmem:s10+$0x180]  }
0x7f: {  	v55 =	vld [tilespmem:s10+$0x1D80]  }
0x80: {  	v56 =	vld [tilespmem:s10+$0x190]  }
0x81: {  	v57 =	vld [tilespmem:s10+$0x1D90]  }
0x82: {  	v58 =	vld [tilespmem:s10+$0x1A0]  }
0x83: {  	v59 =	vld [tilespmem:s10+$0x1DA0]  }
0x84: {  	v60 =	vld [tilespmem:s10+$0x1B0]  }
0x85: {  	v61 =	vld [tilespmem:s10+$0x1DB0]  }
0x86: {  	v62 =	vld [tilespmem:s10+$0x1C0]  }
0x87: {  	v63 =	vld [tilespmem:s10+$0x1DC0]  }
0x88: {  	v16 =	vld [tilespmem:s10+$0x1D0]  }
0x89: {  	v17 =	vld [tilespmem:s10+$0x1DD0];
	v0 =	vmul.u32 $0xA, v54  }
0x8a: {  	v18 =	vld [tilespmem:s10+$0x1E0];
	v2 =	vmul.u32 $0xA, v56  }
0x8b: {  	v20 =	vld [tilespmem:s10+$0x1F0];
	v19 =	vmul.u32 $0xA, v58;
	v0 =	vadd.s32 v55, v0  }
0x8c: {  	v23 =	vld [tilespmem:s10+$0x1DE0];
	v22 =	vmul.u32 $0xA, v60;
	v21 =	vadd.s32 v57, v2;
	[tilespmem:s10+$0x3980] =	vst v0  }
0x8d: {  	v26 =	vld [tilespmem:s10+$0x1DF0];
	v25 =	vmul.u32 $0xA, v62;
	v24 =	vadd.s32 v59, v19;
	[tilespmem:s10+$0x3990] =	vst v21  }
0x8e: {  	v28 =	vmul.u32 $0xA, v16;
	v27 =	vadd.s32 v61, v22;
	[tilespmem:s10+$0x39A0] =	vst v24  }
0x8f: {  	v30 =	vmul.u32 $0xA, v18;
	v29 =	vadd.s32 v63, v25;
	[tilespmem:s10+$0x39B0] =	vst v27  }
0x90: {  	v32 =	vmul.u32 $0xA, v20;
	v31 =	vadd.s32 v17, v28;
	[tilespmem:s10+$0x39C0] =	vst v29  }
0x91: {  	v33 =	vadd.s32 v23, v30;
	[tilespmem:s10+$0x39D0] =	vst v31  }
0x92: {  	v34 =	vadd.s32 v26, v32;
	[tilespmem:s10+$0x39E0] =	vst v33  }
0x93: {  	s11 =	sadd.s32 $0x3980, s10;
	[tilespmem:s10+$0x39F0] =	vst v34  }
0x94: {  	[tilespmem:s25], [sflag:$0x4] =	stream.indirect.gather [spmem:s3], $0x80, s11, s18, $0xb8;
	[tilespmem:$0x1B340] =	vst v63  }
0x95: {  	_ =	swait.ge [sflag:s26], $0x4000  }
0x96: {  	s11 =	sadd.s32 $0x2, s19;
	s8 =	rddreg [dreg:$0x6];
	[sflag:s26] =	ssyncset.done $0x0  }
0x97: {  	p1 =	sgt.u32 s11, $0x2C;
	[sflag:s26] =	ssyncadd.s32 $0xFFFFC000;
	s5 =	sadd.s32 s21, s8  }
0x98: {  	[hbm4b:s5+s4] =	stream.linear.scatter [tilespmem:s22], [sflag:$0x7], $0x4000, $0x38;
	[tilespmem:$0x1B340] =	vst v63  }
0x99: {  	s5 =	simm.s32 @!p1 $0xA  }
0x9a: {  	_ =	swait.ge @!p1 [sflag:s5], $0x4000  }
0x9b: {  	[sflag:s5] =	ssyncset.done @!p1 $0x0  }
0x9c: {  	[sflag:s5] =	ssyncadd.s32 @!p1 $0xFFFFC000  }
0x9d: {  	v35 =	vld [tilespmem:s10+$0x200]  }
0x9e: {  	v36 =	vld [tilespmem:s10+$0x1E00]  }
0x9f: {  	v37 =	vld [tilespmem:s10+$0x210]  }
0xa0: {  	v38 =	vld [tilespmem:s10+$0x1E10]  }
0xa1: {  	v39 =	vld [tilespmem:s10+$0x220]  }
0xa2: {  	v40 =	vld [tilespmem:s10+$0x1E20]  }
0xa3: {  	v41 =	vld [tilespmem:s10+$0x230]  }
0xa4: {  	v42 =	vld [tilespmem:s10+$0x1E30]  }
0xa5: {  	v43 =	vld [tilespmem:s10+$0x240]  }
0xa6: {  	v44 =	vld [tilespmem:s10+$0x1E40]  }
0xa7: {  	v45 =	vld [tilespmem:s10+$0x250]  }
0xa8: {  	v46 =	vld [tilespmem:s10+$0x1E50];
	v0 =	vmul.u32 $0xA, v35  }
0xa9: {  	v47 =	vld [tilespmem:s10+$0x260];
	v2 =	vmul.u32 $0xA, v37  }
0xaa: {  	v49 =	vld [tilespmem:s10+$0x270];
	v48 =	vmul.u32 $0xA, v39;
	v0 =	vadd.s32 v36, v0  }
0xab: {  	v52 =	vld [tilespmem:s10+$0x1E60];
	v51 =	vmul.u32 $0xA, v41;
	v50 =	vadd.s32 v38, v2;
	[tilespmem:s10+$0x3A00] =	vst v0  }
0xac: {  	v55 =	vld [tilespmem:s10+$0x1E70];
	v54 =	vmul.u32 $0xA, v43;
	v53 =	vadd.s32 v40, v48;
	[tilespmem:s10+$0x3A10] =	vst v50  }
0xad: {  	v57 =	vmul.u32 $0xA, v45;
	v56 =	vadd.s32 v42, v51;
	[tilespmem:s10+$0x3A20] =	vst v53  }
0xae: {  	v59 =	vmul.u32 $0xA, v47;
	v58 =	vadd.s32 v44, v54;
	[tilespmem:s10+$0x3A30] =	vst v56  }
0xaf: {  	v61 =	vmul.u32 $0xA, v49;
	v60 =	vadd.s32 v46, v57;
	[tilespmem:s10+$0x3A40] =	vst v58  }
0xb0: {  	v62 =	vadd.s32 v52, v59;
	[tilespmem:s10+$0x3A50] =	vst v60  }
0xb1: {  	v63 =	vadd.s32 v55, v61;
	[tilespmem:s10+$0x3A60] =	vst v62  }
0xb2: {  	s8 =	sadd.s32 $0x3A00, s10;
	[tilespmem:s10+$0x3A70] =	vst v63  }
0xb3: {  	[tilespmem:s28], [sflag:$0x5] =	stream.indirect.gather [spmem:s3], $0x80, s8, s18, $0xb8;
	[tilespmem:$0x1B340] =	vst v63  }
0xb4: {  	_ =	swait.ge [sflag:s29], $0x4000  }
0xb5: {  	s10 =	rddreg [dreg:$0x8];
	[sflag:s29] =	ssyncset.done $0x0  }
0xb6: {  	p1 =	seq.s32 s6, $0x5A00;
	[sflag:s29] =	ssyncadd.s32 $0xFFFFC000;
	s5 =	sadd.s32 s21, s10  }
0xb7: {  	[hbm4b:s5+s4] =	stream.linear.scatter [tilespmem:s23], [sflag:$0x8], $0x4000, $0x38;
	[tilespmem:$0x1B340] =	vst v63  }
0xb8: {  	s5 =	simm.s32 @!p1 $0x6  }
0xb9: {  	_ =	swait.ge @!p1 [sflag:s5], $0x4000  }
0xba: {  	[sflag:s5] =	ssyncset.done @!p1 $0x0  }
0xbb: {  	s10 =	sshra.s32 @!p1 s6, $0x2;
	[sflag:s5] =	ssyncadd.s32 @!p1 $0xFFFFC000  }
0xbc: {  	v0 =	vld @!p1 [tilespmem:s10+$0x280]  }
0xbd: {  	v1 =	vld @!p1 [tilespmem:s10+$0x1E80]  }
0xbe: {  	v2 =	vld @!p1 [tilespmem:s10+$0x290]  }
0xbf: {  	v3 =	vld @!p1 [tilespmem:s10+$0x1E90]  }
0xc0: {  	v4 =	vld @!p1 [tilespmem:s10+$0x2A0]  }
0xc1: {  	v5 =	vld @!p1 [tilespmem:s10+$0x1EA0]  }
0xc2: {  	v6 =	vld @!p1 [tilespmem:s10+$0x2B0]  }
0xc3: {  	v7 =	vld @!p1 [tilespmem:s10+$0x1EB0]  }
0xc4: {  	v8 =	vld @!p1 [tilespmem:s10+$0x2C0]  }
0xc5: {  	v9 =	vld @!p1 [tilespmem:s10+$0x1EC0]  }
0xc6: {  	v10 =	vld @!p1 [tilespmem:s10+$0x2D0]  }
0xc7: {  	v11 =	vld @!p1 [tilespmem:s10+$0x1ED0];
	v0 =	vmul.u32 @!p1 $0xA, v0  }
0xc8: {  	v12 =	vld @!p1 [tilespmem:s10+$0x2E0];
	v2 =	vmul.u32 @!p1 $0xA, v2  }
0xc9: {  	v0 =	vadd.s32 @!p1 v1, v0;
	v1 =	vmul.u32 @!p1 $0xA, v4;
	v4 =	vld @!p1 [tilespmem:s10+$0x2F0]  }
0xca: {  	[tilespmem:s10+$0x3A80] =	vst @!p1 v0;
	v0 =	vadd.s32 @!p1 v3, v2;
	v2 =	vmul.u32 @!p1 $0xA, v6;
	v3 =	vld @!p1 [tilespmem:s10+$0x1EE0]  }
0xcb: {  	[tilespmem:s10+$0x3A90] =	vst @!p1 v0;
	v0 =	vadd.s32 @!p1 v5, v1;
	v1 =	vmul.u32 @!p1 $0xA, v8;
	v5 =	vld @!p1 [tilespmem:s10+$0x1EF0]  }
0xcc: {  	[tilespmem:s10+$0x3AA0] =	vst @!p1 v0;
	v0 =	vadd.s32 @!p1 v7, v2;
	v2 =	vmul.u32 @!p1 $0xA, v10  }
0xcd: {  	[tilespmem:s10+$0x3AB0] =	vst @!p1 v0;
	v0 =	vadd.s32 @!p1 v9, v1;
	v1 =	vmul.u32 @!p1 $0xA, v12  }
0xce: {  	[tilespmem:s10+$0x3AC0] =	vst @!p1 v0;
	v0 =	vadd.s32 @!p1 v11, v2;
	v2 =	vmul.u32 @!p1 $0xA, v4  }
0xcf: {  	[tilespmem:s10+$0x3AD0] =	vst @!p1 v0;
	v0 =	vadd.s32 @!p1 v3, v1  }
0xd0: {  	[tilespmem:s10+$0x3AE0] =	vst @!p1 v0;
	v0 =	vadd.s32 @!p1 v5, v2  }
0xd1: {  	s11 =	simm.s32 @!p1 $0x5400;
	s8 =	simm.s32 @!p1 $0x80;
	s5 =	sadd.s32 @!p1 $0x3A80, s10;
	[tilespmem:s10+$0x3AF0] =	vst @!p1 v0  }
0xd2: {  	[tilespmem:s11], [sflag:$0x1] =	stream.indirect.gather @!p1 [spmem:s3], $0x80, s5, s8, $0xb8;
	[tilespmem:$0x1B340] =	vst v63  }
0xd3: {  	_ =	swait.ge [sflag:s30], $0x4000  }
0xd4: {  	s11 =	rddreg [dreg:$0x9];
	[sflag:s30] =	ssyncset.done $0x0  }
0xd5: {  	[sflag:s30] =	ssyncadd.s32 $0xFFFFC000;
	s5 =	sadd.s32 s21, s11  }
0xd6: {  	[hbm4b:s5+s4] =	stream.linear.scatter [tilespmem:s25], [sflag:$0x9], $0x4000, $0x38;
	[tilespmem:$0x1B340] =	vst v63  }
0xd7: {  	s5 =	simm.s32 @!p1 $0x7  }
0xd8: {  	_ =	swait.ge @!p1 [sflag:s5], $0x4000  }
0xd9: {  	[sflag:s5] =	ssyncset.done @!p1 $0x0  }
0xda: {  	[sflag:s5] =	ssyncadd.s32 @!p1 $0xFFFFC000  }
0xdb: {  	v0 =	vld @!p1 [tilespmem:s10+$0x300]  }
0xdc: {  	v1 =	vld @!p1 [tilespmem:s10+$0x1F00]  }
0xdd: {  	v2 =	vld @!p1 [tilespmem:s10+$0x310]  }
0xde: {  	v3 =	vld @!p1 [tilespmem:s10+$0x1F10]  }
0xdf: {  	v4 =	vld @!p1 [tilespmem:s10+$0x320]  }
0xe0: {  	v5 =	vld @!p1 [tilespmem:s10+$0x1F20]  }
0xe1: {  	v6 =	vld @!p1 [tilespmem:s10+$0x330]  }
0xe2: {  	v7 =	vld @!p1 [tilespmem:s10+$0x1F30]  }
0xe3: {  	v8 =	vld @!p1 [tilespmem:s10+$0x340]  }
0xe4: {  	v9 =	vld @!p1 [tilespmem:s10+$0x1F40]  }
0xe5: {  	v10 =	vld @!p1 [tilespmem:s10+$0x350]  }
0xe6: {  	v11 =	vld @!p1 [tilespmem:s10+$0x1F50];
	v0 =	vmul.u32 @!p1 $0xA, v0  }
0xe7: {  	v12 =	vld @!p1 [tilespmem:s10+$0x360];
	v2 =	vmul.u32 @!p1 $0xA, v2  }
0xe8: {  	v0 =	vadd.s32 @!p1 v1, v0;
	v1 =	vmul.u32 @!p1 $0xA, v4;
	v4 =	vld @!p1 [tilespmem:s10+$0x370]  }
0xe9: {  	[tilespmem:s10+$0x3B00] =	vst @!p1 v0;
	v0 =	vadd.s32 @!p1 v3, v2;
	v2 =	vmul.u32 @!p1 $0xA, v6;
	v3 =	vld @!p1 [tilespmem:s10+$0x1F60]  }
0xea: {  	[tilespmem:s10+$0x3B10] =	vst @!p1 v0;
	v0 =	vadd.s32 @!p1 v5, v1;
	v1 =	vmul.u32 @!p1 $0xA, v8;
	v5 =	vld @!p1 [tilespmem:s10+$0x1F70]  }
0xeb: {  	[tilespmem:s10+$0x3B20] =	vst @!p1 v0;
	v0 =	vadd.s32 @!p1 v7, v2;
	v2 =	vmul.u32 @!p1 $0xA, v10  }
0xec: {  	[tilespmem:s10+$0x3B30] =	vst @!p1 v0;
	v0 =	vadd.s32 @!p1 v9, v1;
	v1 =	vmul.u32 @!p1 $0xA, v12  }
0xed: {  	[tilespmem:s10+$0x3B40] =	vst @!p1 v0;
	v0 =	vadd.s32 @!p1 v11, v2;
	v2 =	vmul.u32 @!p1 $0xA, v4  }
0xee: {  	[tilespmem:s10+$0x3B50] =	vst @!p1 v0;
	v0 =	vadd.s32 @!p1 v3, v1  }
0xef: {  	[tilespmem:s10+$0x3B60] =	vst @!p1 v0;
	v0 =	vadd.s32 @!p1 v5, v2  }
0xf0: {  	s6 =	sadd.s32 $0xA00, s6;
	s5 =	sadd.s32 @!p1 $0x3B00, s10;
	[tilespmem:s10+$0x3B70] =	vst @!p1 v0;
	s10 =	simm.s32 @!p1 $0x9400  }
0xf1: {  	[tilespmem:s10], [sflag:$0x2] =	stream.indirect.gather @!p1 [spmem:s3], $0x80, s5, s8, $0xb8;
	[tilespmem:$0x1B340] =	vst v63  }
0xf2: {  	p1 =	sne.s32 s6, $0x6400  }
.Ltmp0:
0xf3: {  	_ = 	snop;
	(pc) =	sbr.rel @p1 .LBB2_2-.Ltmp0, $4  }
0xf4: {  	_ =	swait.ge [sflag:s31], $0x4000  }
0xf5: {  	s19 =	sadd.s32 $0x5, s19;
	s11 =	rddreg [dreg:$0xa];
	[sflag:s31] =	ssyncset.done $0x0  }
0xf6: {  	[sflag:s31] =	ssyncadd.s32 $0xFFFFC000;
	s5 =	sadd.s32 s21, s11;
	s21 =	sadd.s32 $0x50000, s21  }
0xf7: {  	[hbm4b:s5+s4] =	stream.linear.scatter [tilespmem:s28], [sflag:$0xA], $0x4000, $0x38;
	[tilespmem:$0x1B340] =	vst v63  }
0xf8: {  	_ =	swait.ge [sflag:s0], $0x4000  }
0xf9: {  	[sflag:s0] =	ssyncset.done $0x0  }
0xfa: {  	[sflag:s0] =	ssyncadd.s32 $0xFFFFC000  }
0xfb: {  	_ =	swait.ge [sflag:s1], $0x4000  }
0xfc: {  	[sflag:s1] =	ssyncset.done $0x0  }
0xfd: {  	[sflag:s1] =	ssyncadd.s32 $0xFFFFC000  }
0xfe: {  	_ =	swait.ge [sflag:s2], $0x4000  }
0xff: {  	[sflag:s2] =	ssyncset.done $0x0  }
0x100: {  	s14 =	sadd.s32 $0x1, s14;
	[sflag:s2] =	ssyncadd.s32 $0xFFFFC000  }
0x101: {  	p1 =	sne.s32 s14, s9;
	_ =	swait.ge [sflag:s12], $0x4000  }
.Ltmp1:
0x102: {  	[sflag:s12] =	ssyncset.done $0x0;
	(pc) =	sbr.rel @p1 .LBB2_1-.Ltmp1, $4  }
0x103: {  	[sflag:s12] =	ssyncadd.s32 $0xFFFFC000  }
0x104: {  	_ =	swait.ge [sflag:s13], $0x4000  }
0x105: {  	[sflag:s13] =	ssyncset.done $0x0  }
0x106: {  	[sflag:s13] =	ssyncadd.s32 $0xFFFFC000  }
0x107: {  	_ =	sfence.sel $0x180000  }
0x108: {  	[bflag:$0x0] =	sbarrier.arrive $0xFFFF  }
0x109: {  	_ =	strace $0x90000047  }
0x10a: {  	[bflag:$0x2] =	sbarrier.arrive $0xFFFF  }
0x10b: {  	s0 =	rddreg [dreg:$0x5]  }
0x10c: {  	s0 =	sadd.s32 @!p0 $0x100000, s0  }
0x10d: {  	[sflag:s0] =	ssyncadd.tile.s32 @!p0 $0x1;
	_ =	shalt  }
.Lfunc_end2:
_tile_overlayer_lowered:
.L_overlay_start_2:
0x10e: {  	(tag) =	ssettag $0x2  }
0x10f: {  	s0 =	rddreg [dreg:$0x0];
	s2 =	stileid.u32  }
0x110: {  	s1 =	rddreg [dreg:$0x1];
	p0 =	sne.s32 s2, $0x0  }
0x111: {  	s3 =	rddreg [dreg:$0x2];
	[bflag:$0x3] =	sbarrier.arrive $0xFFFF;
	s2 =	simm.s32 @!p0 $0x1C0D  }
0x112: {  	[timem:s3], [sflag:s2] =	dma.local @!p0 [hbm:s0], s1  }
0x113: {  	s0 =	simm.s32 @!p0 $0xD  }
0x114: {  	_ =	swait.ge @!p0 [sflag:s0], s1  }
0x115: {  	s1 =	ssub.s32 @!p0 $0x0, s1;
	[sflag:s0] =	ssyncset.done @!p0 $0x0  }
0x116: {  	[sflag:s0] =	ssyncadd.s32 @!p0 s1  }
0x117: {  	[bflag:$0x3] =	sbarrier.arrive $0xFFFF  }
0x118: {  	_ =	shalt  }

</sc_bundles>
